<compile_context>
chip_gen: v7x
topology: tpu7x:2x2x1
jax: 0.10.2.dev20260603
libtpu: 0.0.44.dev20260713+nightly
codegen_flags: <defaults>
</compile_context>

<pallas_src>
import dataclasses

import numpy as np

import jax
import jax.numpy as jnp
from jax import lax
from jax.experimental import pallas as pl
from jax.experimental.pallas import tpu as pltpu
from jax.experimental.pallas import tpu_sc as plsc

N = 10000
E = 320000
D = 128

NC = 2
NS = 16
L = 16
NW = NC * NS

C = 64
NSET = 3
CHUNKS_PER_W = 159
NCHUNK = NW * CHUNKS_PER_W
E_PAD = NCHUNK * C
NPAD = N + 16
HW = D // 2
ROWS_PER_TILE = 624
TAIL_BASE = NS * ROWS_PER_TILE

PQ_BLK = 5008
UPD_BLK = 2000

_g = np.empty(D, np.int32)
for _c0 in range(0, D, 32):
    for _r in range(16):
        _g[_c0 + 2 * _r] = _c0 + _r
        _g[_c0 + 2 * _r + 1] = _c0 + 16 + _r
GPERM = _g


def _pq_body(ns_ref, wsrc_ref, wdst_ref, be_ref, p_ref, q_ref):
    ns = ns_ref[...]
    row = (pl.program_id(0) * PQ_BLK
           + lax.broadcasted_iota(jnp.int32, (PQ_BLK, 1), 0))
    live = row < N
    pv = jnp.dot(ns, wsrc_ref[...], preferred_element_type=jnp.float32)
    qv = (jnp.dot(ns, wdst_ref[...], preferred_element_type=jnp.float32)
          + be_ref[...])
    p_ref[...] = jnp.where(live, pv, 0.0).astype(jnp.bfloat16)
    q_ref[...] = jnp.where(live, qv, 0.0).astype(jnp.bfloat16)


def _pq(node_states, w_src, w_dst, b_e_row):
    return pl.pallas_call(
        _pq_body,
        grid=(NPAD // PQ_BLK,),
        in_specs=[
            pl.BlockSpec((PQ_BLK, D), lambda i: (i, 0)),
            pl.BlockSpec((D, D), lambda i: (0, 0)),
            pl.BlockSpec((D, D), lambda i: (0, 0)),
            pl.BlockSpec((1, D), lambda i: (0, 0)),
        ],
        out_specs=[
            pl.BlockSpec((PQ_BLK, D), lambda i: (i, 0)),
            pl.BlockSpec((PQ_BLK, D), lambda i: (i, 0)),
        ],
        out_shape=[
            jax.ShapeDtypeStruct((NPAD, D), jnp.bfloat16),
            jax.ShapeDtypeStruct((NPAD, D), jnp.bfloat16),
        ],
    )(node_states, w_src, w_dst, b_e_row)


def _upd_body(ns_ref, pp_ref, wt_ref, wb_ref, bu_ref, o_ref):
    aggr = pp_ref[0] + pp_ref[1]
    acc = jnp.dot(ns_ref[...], wt_ref[...], preferred_element_type=jnp.float32)
    acc = acc + jnp.dot(aggr, wb_ref[...], preferred_element_type=jnp.float32)
    o_ref[...] = jnp.maximum(acc + bu_ref[...], 0.0)


def _upd(node_states, partials, w_top, w_bot, b_u_row):
    return pl.pallas_call(
        _upd_body,
        grid=(N // UPD_BLK,),
        in_specs=[
            pl.BlockSpec((UPD_BLK, D), lambda i: (i, 0)),
            pl.BlockSpec((NC, UPD_BLK, D), lambda i: (0, i, 0)),
            pl.BlockSpec((D, D), lambda i: (0, 0)),
            pl.BlockSpec((D, D), lambda i: (0, 0)),
            pl.BlockSpec((1, D), lambda i: (0, 0)),
        ],
        out_specs=pl.BlockSpec((UPD_BLK, D), lambda i: (i, 0)),
        out_shape=jax.ShapeDtypeStruct((N, D), jnp.float32),
    )(node_states, partials, w_top, w_bot, b_u_row)


def _sc_edge_body(pt_hbm, qt_hbm, src_hbm, dst_hbm, out_hbm,
                  idx0, idx1, idx2, sdidx0, sdidx1, sdidx2,
                  g0, g1, g2, m0, m1, m2,
                  semg0, semg1, semg2, sems0, sems1, sems2,
                  semi0, semi1, semi2, aggr):
    cid = lax.axis_index("c")
    sid = lax.axis_index("s")
    wid = cid * NS + sid
    wbase = wid * CHUNKS_PER_W
    T = CHUNKS_PER_W

    sets = (
        (idx0, sdidx0, g0, m0, semg0, sems0, semi0),
        (idx1, sdidx1, g1, m1, semg1, sems1, semi1),
        (idx2, sdidx2, g2, m2, semg2, sems2, semi2),
    )

    @pl.loop(0, C)
    def _zero_rows(r):
        for c0 in range(0, D, L):
            m0[r, pl.ds(c0, L)] = jnp.zeros((L,), jnp.float32)

    zbase = sid * ROWS_PER_TILE
    nfull = ROWS_PER_TILE // C
    @pl.loop(0, nfull)
    def _zcopy(k):
        pltpu.sync_copy(m0, aggr.at[pl.ds(zbase + k * C, C)])
    if ROWS_PER_TILE % C:
        pltpu.sync_copy(m0.at[pl.ds(0, ROWS_PER_TILE % C)],
                        aggr.at[pl.ds(zbase + nfull * C, ROWS_PER_TILE % C)])

    @pl.when(sid == NS - 1)
    def _ztail():
        pltpu.sync_copy(m0.at[pl.ds(0, NPAD - TAIL_BASE)],
                        aggr.at[pl.ds(TAIL_BASE, NPAD - TAIL_BASE)])

    plsc.subcore_barrier()

    def idx_start(t, st):
        ebase = (wbase + t) * C
        pltpu.async_copy(src_hbm.at[pl.ds(ebase, C)], st[0].at[0], st[6])
        pltpu.async_copy(dst_hbm.at[pl.ds(ebase, C)], st[0].at[1], st[6])

    def idx_wait(st):
        pltpu.make_async_copy(src_hbm.at[pl.ds(0, C)], st[0].at[0],
                              st[6]).wait()
        pltpu.make_async_copy(dst_hbm.at[pl.ds(0, C)], st[0].at[1],
                              st[6]).wait()

    def gather_start(st):
        pltpu.async_copy(pt_hbm.at[st[0].at[0]], st[2].at[pl.ds(0, C)], st[4])
        pltpu.async_copy(qt_hbm.at[st[0].at[1]], st[2].at[pl.ds(C, C)], st[4])

    def gather_wait(st):
        pltpu.make_async_copy(pt_hbm.at[st[0].at[0]], st[2].at[pl.ds(0, C)],
                              st[4]).wait()
        pltpu.make_async_copy(qt_hbm.at[st[0].at[1]], st[2].at[pl.ds(C, C)],
                              st[4]).wait()

    def scatter_start(st):
        pltpu.async_copy(st[3], aggr.at[st[1].at[0]], st[5], add=True)

    def scatter_wait(st):
        pltpu.make_async_copy(st[3], aggr.at[st[1].at[0]], st[5]).wait()

    def compute(st):
        g_c, m_c = st[2], st[3]

        @pl.loop(0, C)
        def _row(r):
            for ci in range(0, HW, L):
                av = plsc.bitcast(g_c[r, pl.ds(ci, L)], jnp.bfloat16)
                bv = plsc.bitcast(g_c[C + r, pl.ds(ci, L)], jnp.bfloat16)
                rm = jnp.maximum(av + bv, jnp.bfloat16(0))
                x, y = plsc.unpack(rm, format=plsc.PackFormat.INTERLEAVED)
                m_c[r, pl.ds(2 * ci, L)] = x
                m_c[r, pl.ds(2 * ci + L, L)] = y

    def make_sdidx(st):
        idx_c, sdidx_c = st[0], st[1]
        for k in range(0, C, L):
            sdidx_c[0, pl.ds(k, L)] = idx_c[1, pl.ds(k, L)]

    idx_start(0, sets[0])
    idx_start(1, sets[1])
    idx_start(2, sets[2])
    idx_wait(sets[0])
    gather_start(sets[0])
    idx_wait(sets[1])
    gather_start(sets[1])

    @pl.loop(0, T, step=NSET)
    def _trip(tbase):
        for k in range(NSET):
            t = tbase + k
            cur = sets[k]
            nxt2 = sets[(k + 2) % NSET]

            gather_wait(cur)

            @pl.when(t >= NSET)
            def _ws():
                scatter_wait(cur)

            make_sdidx(cur)

            @pl.when(t < T - NSET)
            def _pi():
                idx_start(t + NSET, cur)

            @pl.when(t < T - 2)
            def _ng():
                idx_wait(nxt2)
                gather_start(nxt2)

            compute(cur)
            scatter_start(cur)

    scatter_wait(sets[0])
    scatter_wait(sets[1])
    scatter_wait(sets[2])

    plsc.subcore_barrier()
    pltpu.sync_copy(aggr.at[pl.ds(zbase, ROWS_PER_TILE)],
                    out_hbm.at[cid].at[pl.ds(zbase, ROWS_PER_TILE)])

    @pl.when(sid == NS - 1)
    def _otail():
        pltpu.sync_copy(aggr.at[pl.ds(TAIL_BASE, N - TAIL_BASE)],
                        out_hbm.at[cid].at[pl.ds(TAIL_BASE, N - TAIL_BASE)])


@jax.jit
def _sc_edge(pt, qt, src, dst):
    mesh = plsc.VectorSubcoreMesh(
        core_axis_name="c", subcore_axis_name="s",
        num_cores=NC, num_subcores=NS)
    cp = pltpu.CompilerParams()
    if "needs_layout_passes" in pltpu.CompilerParams.__dataclass_fields__:
        cp = dataclasses.replace(cp, needs_layout_passes=False)
    if "use_tc_tiling_on_sc" in pltpu.CompilerParams.__dataclass_fields__:
        cp = dataclasses.replace(cp, use_tc_tiling_on_sc=False)
    k = pl.kernel(
        _sc_edge_body,
        out_type=jax.ShapeDtypeStruct((NC, N, D), jnp.float32),
        mesh=mesh,
        compiler_params=cp,
        scratch_types=[
            pltpu.VMEM((2, C), jnp.int32),
            pltpu.VMEM((2, C), jnp.int32),
            pltpu.VMEM((2, C), jnp.int32),
            pltpu.VMEM((1, C), jnp.int32),
            pltpu.VMEM((1, C), jnp.int32),
            pltpu.VMEM((1, C), jnp.int32),
            pltpu.VMEM((2 * C, HW), jnp.int32),
            pltpu.VMEM((2 * C, HW), jnp.int32),
            pltpu.VMEM((2 * C, HW), jnp.int32),
            pltpu.VMEM((C, D), jnp.float32),
            pltpu.VMEM((C, D), jnp.float32),
            pltpu.VMEM((C, D), jnp.float32),
            pltpu.SemaphoreType.DMA,
            pltpu.SemaphoreType.DMA,
            pltpu.SemaphoreType.DMA,
            pltpu.SemaphoreType.DMA,
            pltpu.SemaphoreType.DMA,
            pltpu.SemaphoreType.DMA,
            pltpu.SemaphoreType.DMA,
            pltpu.SemaphoreType.DMA,
            pltpu.SemaphoreType.DMA,
            pltpu.VMEM_SHARED((NPAD, D), jnp.float32),
        ],
    )
    return k(pt, qt, src, dst)


def _pack_bf16(x16):
    return lax.bitcast_convert_type(x16.reshape(NPAD, HW, 2), jnp.int32)


def kernel(node_states, edges, W_e, b_e, W_u, b_u):
    pad = jnp.full((E_PAD - E,), N, dtype=jnp.int32)
    src_p = jnp.concatenate([edges[:, 0], pad])
    dst_p = jnp.concatenate([edges[:, 1], pad])

    w_src = W_e[:D][:, GPERM]
    w_dst = W_e[D:][:, GPERM]
    b_perm = b_e[GPERM]
    p16, q16 = _pq(node_states, w_src, w_dst, b_perm.reshape(1, D))

    partials = _sc_edge(_pack_bf16(p16), _pack_bf16(q16), src_p, dst_p)
    return _upd(node_states, partials, W_u[:D], W_u[D:], b_u.reshape(1, D))

# --- scband reference (transcript-rebuilt; emitter-appended) ---
"""Pipeline reference for scband-graph-conv-43748536877241 (READ-ONLY COPY).

The authoritative reference and input builder live on the scoring server;
editing this copy changes nothing except your own understanding.
"""

import jax, jax.numpy as jnp
import numpy as np

N = 10000
E = 320000
D = 128


def setup_inputs(seed: int = 0) -> dict:
    key = jax.random.key(seed)
    k1, k2, k3, k4 = jax.random.split(key, 4)
    node_states = jax.random.normal(k1, (N, D), dtype=jnp.float32)
    edges = jax.random.randint(k2, (E, 2), 0, N, dtype=jnp.int32)
    # learned parameters
    # edge encoder MLP: consumes concat(src_msg, dst_msg) -> 128 units
    W_e = jax.random.normal(k3, (2 * D, 128), dtype=jnp.float32) * 0.05
    b_e = jnp.zeros((128,), dtype=jnp.float32)
    # node updater MLP: consumes concat(node_state, aggregated_edge_msg) -> 128 units
    W_u = jax.random.normal(k4, (D + 128, 128), dtype=jnp.float32) * 0.05
    b_u = jnp.zeros((128,), dtype=jnp.float32)
    return {
        "node_states": node_states,
        "edges": edges,
        "W_e": W_e,
        "b_e": b_e,
        "W_u": W_u,
        "b_u": b_u,
    }


def reference(node_states, edges, W_e, b_e, W_u, b_u):
    # NodePropagator: prepares per-node messages (identity propagation of states)
    node_msgs = node_states
    src = edges[:, 0]
    dst = edges[:, 1]
    # EdgeEncoder: gather endpoint messages, encode per-edge with a dense layer
    h_src = jnp.take(node_msgs, src, axis=0)
    h_dst = jnp.take(node_msgs, dst, axis=0)
    edge_in = jnp.concatenate([h_src, h_dst], axis=-1)
    edge_msgs = jax.nn.relu(edge_in @ W_e + b_e)
    # EdgeSumAggregator: scatter-add edge messages onto destination nodes
    edge_msgs_aggr = jax.ops.segment_sum(edge_msgs, dst, num_segments=node_states.shape[0])
    # NodeUpdater: combine old state with aggregated messages
    upd_in = jnp.concatenate([node_states, edge_msgs_aggr], axis=-1)
    new_states = jax.nn.relu(upd_in @ W_u + b_u)
    return new_states

if __name__ == "__main__":
    import jax
    _d = setup_inputs()
    print(jax.jit(kernel)(*tuple(_d.values())))

</pallas_src>

<mosaic_0001>
#map = affine_map<(d0, d1) -> (0, 0)>
#map1 = affine_map<(d0, d1) -> (0)>
#map2 = affine_map<(d0, d1) -> (0, 0, 0)>
module attributes {stable_mosaic.version = 14 : i64} {
  func.func @_sc_edge_body(%arg0: i32, %arg1: i32, %arg2: memref<10016x64xi32, #tpu.memory_space<hbm>>, %arg3: memref<10016x64xi32, #tpu.memory_space<hbm>>, %arg4: memref<325632xi32, #tpu.memory_space<hbm>>, %arg5: memref<325632xi32, #tpu.memory_space<hbm>>, %arg6: memref<2x10000x128xf32, #tpu.memory_space<hbm>>, %arg7: memref<2x64xi32, #tpu.memory_space<vmem>>, %arg8: memref<2x64xi32, #tpu.memory_space<vmem>>, %arg9: memref<2x64xi32, #tpu.memory_space<vmem>>, %arg10: memref<1x64xi32, #tpu.memory_space<vmem>>, %arg11: memref<1x64xi32, #tpu.memory_space<vmem>>, %arg12: memref<1x64xi32, #tpu.memory_space<vmem>>, %arg13: memref<128x64xi32, #tpu.memory_space<vmem>>, %arg14: memref<128x64xi32, #tpu.memory_space<vmem>>, %arg15: memref<128x64xi32, #tpu.memory_space<vmem>>, %arg16: memref<64x128xf32, #tpu.memory_space<vmem>>, %arg17: memref<64x128xf32, #tpu.memory_space<vmem>>, %arg18: memref<64x128xf32, #tpu.memory_space<vmem>>, %arg19: memref<!tpu.dma_semaphore, #tpu.memory_space<semaphore_mem>>, %arg20: memref<!tpu.dma_semaphore, #tpu.memory_space<semaphore_mem>>, %arg21: memref<!tpu.dma_semaphore, #tpu.memory_space<semaphore_mem>>, %arg22: memref<!tpu.dma_semaphore, #tpu.memory_space<semaphore_mem>>, %arg23: memref<!tpu.dma_semaphore, #tpu.memory_space<semaphore_mem>>, %arg24: memref<!tpu.dma_semaphore, #tpu.memory_space<semaphore_mem>>, %arg25: memref<!tpu.dma_semaphore, #tpu.memory_space<semaphore_mem>>, %arg26: memref<!tpu.dma_semaphore, #tpu.memory_space<semaphore_mem>>, %arg27: memref<!tpu.dma_semaphore, #tpu.memory_space<semaphore_mem>>, %arg28: memref<10016x128xf32, #tpu.memory_space<vmem_shared>>) attributes {dimension_semantics = [#tpu.dimension_semantics<core_parallel>, #tpu.dimension_semantics<subcore_parallel>], iteration_bounds = array<i64: 2, 16>, scalar_prefetch = 0 : i64, scratch_operands = 22 : i64, tpu.core_type = #tpu.core_type<sc_vector_subcore>, window_params = [{transform_indices = #map}, {transform_indices = #map}, {transform_indices = #map1}, {transform_indices = #map1}, {transform_indices = #map2}]} {
    %mul3A = arith.constant 16 : i32
    %mul3A_0 = arith.muli %arg0, %mul3A : i32
    %add3A = arith.addi %mul3A_0, %arg1 : i32
    %mul3A_1 = arith.constant 159 : i32
    %mul3A_2 = arith.muli %add3A, %mul3A_1 : i32
    %scan3A = arith.constant 0 : i32
    %scan3A_3 = arith.constant 64 : i32
    %scan3A_4 = arith.addi %scan3A, %scan3A_3 : i32
    %scan3A_5 = arith.constant 1 : i32
    scf.for %scan3A_198 = %scan3A to %scan3A_4 step %scan3A_5  : i32 {
      %mul3A_199 = arith.constant 1 : i32
      %mul3A_200 = arith.muli %scan3A_198, %mul3A_199 : i32
      %add3A_201 = arith.constant 0 : i32
      %add3A_202 = arith.addi %add3A_201, %mul3A_200 : i32
      %broadcast_in_dim3A = arith.constant 0.000000e+00 : f32
      %broadcast_in_dim3A_203 = vector.broadcast %broadcast_in_dim3A : f32 to vector<16xf32>
      %swap3A = arith.index_cast %add3A_202 : i32 to index
      %swap3A_204 = arith.constant 0 : index
      %swap3A_205 = tpu.vector_load %arg16[%swap3A, %swap3A_204] {strides = array<i32>} : memref<64x128xf32, #tpu.memory_space<vmem>>, vector<16xf32>,
      tpu.vector_store %arg16[%swap3A, %swap3A_204], %broadcast_in_dim3A_203 {strides = array<i32>} : memref<64x128xf32, #tpu.memory_space<vmem>>, vector<16xf32>,
      %broadcast_in_dim3A_206 = arith.constant 0.000000e+00 : f32
      %broadcast_in_dim3A_207 = vector.broadcast %broadcast_in_dim3A_206 : f32 to vector<16xf32>
      %swap3A_208 = arith.index_cast %add3A_202 : i32 to index
      %swap3A_209 = arith.constant 16 : index
      %swap3A_210 = tpu.vector_load %arg16[%swap3A_208, %swap3A_209] {strides = array<i32>} : memref<64x128xf32, #tpu.memory_space<vmem>>, vector<16xf32>,
      tpu.vector_store %arg16[%swap3A_208, %swap3A_209], %broadcast_in_dim3A_207 {strides = array<i32>} : memref<64x128xf32, #tpu.memory_space<vmem>>, vector<16xf32>,
      %broadcast_in_dim3A_211 = arith.constant 0.000000e+00 : f32
      %broadcast_in_dim3A_212 = vector.broadcast %broadcast_in_dim3A_211 : f32 to vector<16xf32>
      %swap3A_213 = arith.index_cast %add3A_202 : i32 to index
      %swap3A_214 = arith.constant 32 : index
      %swap3A_215 = tpu.vector_load %arg16[%swap3A_213, %swap3A_214] {strides = array<i32>} : memref<64x128xf32, #tpu.memory_space<vmem>>, vector<16xf32>,
      tpu.vector_store %arg16[%swap3A_213, %swap3A_214], %broadcast_in_dim3A_212 {strides = array<i32>} : memref<64x128xf32, #tpu.memory_space<vmem>>, vector<16xf32>,
      %broadcast_in_dim3A_216 = arith.constant 0.000000e+00 : f32
      %broadcast_in_dim3A_217 = vector.broadcast %broadcast_in_dim3A_216 : f32 to vector<16xf32>
      %swap3A_218 = arith.index_cast %add3A_202 : i32 to index
      %swap3A_219 = arith.constant 48 : index
      %swap3A_220 = tpu.vector_load %arg16[%swap3A_218, %swap3A_219] {strides = array<i32>} : memref<64x128xf32, #tpu.memory_space<vmem>>, vector<16xf32>,
      tpu.vector_store %arg16[%swap3A_218, %swap3A_219], %broadcast_in_dim3A_217 {strides = array<i32>} : memref<64x128xf32, #tpu.memory_space<vmem>>, vector<16xf32>,
      %broadcast_in_dim3A_221 = arith.constant 0.000000e+00 : f32
      %broadcast_in_dim3A_222 = vector.broadcast %broadcast_in_dim3A_221 : f32 to vector<16xf32>
      %swap3A_223 = arith.index_cast %add3A_202 : i32 to index
      %swap3A_224 = arith.constant 64 : index
      %swap3A_225 = tpu.vector_load %arg16[%swap3A_223, %swap3A_224] {strides = array<i32>} : memref<64x128xf32, #tpu.memory_space<vmem>>, vector<16xf32>,
      tpu.vector_store %arg16[%swap3A_223, %swap3A_224], %broadcast_in_dim3A_222 {strides = array<i32>} : memref<64x128xf32, #tpu.memory_space<vmem>>, vector<16xf32>,
      %broadcast_in_dim3A_226 = arith.constant 0.000000e+00 : f32
      %broadcast_in_dim3A_227 = vector.broadcast %broadcast_in_dim3A_226 : f32 to vector<16xf32>
      %swap3A_228 = arith.index_cast %add3A_202 : i32 to index
      %swap3A_229 = arith.constant 80 : index
      %swap3A_230 = tpu.vector_load %arg16[%swap3A_228, %swap3A_229] {strides = array<i32>} : memref<64x128xf32, #tpu.memory_space<vmem>>, vector<16xf32>,
      tpu.vector_store %arg16[%swap3A_228, %swap3A_229], %broadcast_in_dim3A_227 {strides = array<i32>} : memref<64x128xf32, #tpu.memory_space<vmem>>, vector<16xf32>,
      %broadcast_in_dim3A_231 = arith.constant 0.000000e+00 : f32
      %broadcast_in_dim3A_232 = vector.broadcast %broadcast_in_dim3A_231 : f32 to vector<16xf32>
      %swap3A_233 = arith.index_cast %add3A_202 : i32 to index
      %swap3A_234 = arith.constant 96 : index
      %swap3A_235 = tpu.vector_load %arg16[%swap3A_233, %swap3A_234] {strides = array<i32>} : memref<64x128xf32, #tpu.memory_space<vmem>>, vector<16xf32>,
      tpu.vector_store %arg16[%swap3A_233, %swap3A_234], %broadcast_in_dim3A_232 {strides = array<i32>} : memref<64x128xf32, #tpu.memory_space<vmem>>, vector<16xf32>,
      %broadcast_in_dim3A_236 = arith.constant 0.000000e+00 : f32
      %broadcast_in_dim3A_237 = vector.broadcast %broadcast_in_dim3A_236 : f32 to vector<16xf32>
      %swap3A_238 = arith.index_cast %add3A_202 : i32 to index
      %swap3A_239 = arith.constant 112 : index
      %swap3A_240 = tpu.vector_load %arg16[%swap3A_238, %swap3A_239] {strides = array<i32>} : memref<64x128xf32, #tpu.memory_space<vmem>>, vector<16xf32>,
      tpu.vector_store %arg16[%swap3A_238, %swap3A_239], %broadcast_in_dim3A_237 {strides = array<i32>} : memref<64x128xf32, #tpu.memory_space<vmem>>, vector<16xf32>,
    }
    %scan3A_6 = arith.constant 64 : i32
    %mul3A_7 = arith.constant 624 : i32
    %mul3A_8 = arith.muli %arg1, %mul3A_7 : i32
    %scan3A_9 = arith.constant 0 : i32
    %scan3A_10 = arith.constant 9 : i32
    %scan3A_11 = arith.addi %scan3A_9, %scan3A_10 : i32
    %scan3A_12 = arith.constant 1 : i32
    scf.for %scan3A_198 = %scan3A_9 to %scan3A_11 step %scan3A_12  : i32 {
      %mul3A_199 = arith.constant 1 : i32
      %mul3A_200 = arith.muli %scan3A_198, %mul3A_199 : i32
      %add3A_201 = arith.constant 0 : i32
      %add3A_202 = arith.addi %add3A_201, %mul3A_200 : i32
      %mul3A_203 = arith.constant 64 : i32
      %mul3A_204 = arith.muli %add3A_202, %mul3A_203 : i32
      %add3A_205 = arith.addi %mul3A_8, %mul3A_204 : i32
      "tpu.region"() ({
        %run_scoped3A = tpu.sem_alloc : memref<!tpu.dma_semaphore, #tpu.memory_space<semaphore_mem>>
        %dma_start3A_206 = arith.constant 0 : i32
        %dma_start3A_207 = tpu.memref_slice %arg28[%add3A_205, %dma_start3A_206] : memref<10016x128xf32, #tpu.memory_space<vmem_shared>> -> memref<64x128xf32, #tpu.memory_space<vmem_shared>>
        %dma_start3A_208 = arith.constant 0 : i32
        %dma_start3A_209 = tpu.memref_slice %arg28[%add3A_205, %dma_start3A_208] : memref<10016x128xf32, #tpu.memory_space<vmem_shared>> -> memref<64x128xf32, #tpu.memory_space<vmem_shared>>
        tpu.enqueue_dma source(%arg16 : memref<64x128xf32, #tpu.memory_space<vmem>>) target(%dma_start3A_209 : memref<64x128xf32, #tpu.memory_space<vmem_shared>>) target_semaphore(%run_scoped3A : memref<!tpu.dma_semaphore, #tpu.memory_space<semaphore_mem>>)
        %dma_wait3A_210 = arith.constant 0 : i32
        %dma_wait3A_211 = tpu.memref_slice %arg28[%add3A_205, %dma_wait3A_210] : memref<10016x128xf32, #tpu.memory_space<vmem_shared>> -> memref<64x128xf32, #tpu.memory_space<vmem_shared>>
        %dma_wait3A_212 = arith.constant 0 : i32
        %dma_wait3A_213 = tpu.memref_slice %arg28[%add3A_205, %dma_wait3A_212] : memref<10016x128xf32, #tpu.memory_space<vmem_shared>> -> memref<64x128xf32, #tpu.memory_space<vmem_shared>>
        tpu.wait_dma2 semaphore(%run_scoped3A : memref<!tpu.dma_semaphore, #tpu.memory_space<semaphore_mem>>) src(%arg16 : memref<64x128xf32, #tpu.memory_space<vmem>>) dst(%dma_wait3A_213 : memref<64x128xf32, #tpu.memory_space<vmem_shared>>)
        tpu.yield
      }) : () -> ()
    }
    %scan3A_13 = arith.constant 9 : i32
    %add3A_14 = arith.constant 576 : i32
    %add3A_15 = arith.addi %mul3A_8, %add3A_14 : i32
    "tpu.region"() ({
      %run_scoped3A = tpu.sem_alloc : memref<!tpu.dma_semaphore, #tpu.memory_space<semaphore_mem>>
      %dma_start3A_198 = arith.constant 0 : i32
      %dma_start3A_199 = arith.constant 0 : i32
      %dma_start3A_200 = tpu.memref_slice %arg16[%dma_start3A_198, %dma_start3A_199] : memref<64x128xf32, #tpu.memory_space<vmem>> -> memref<48x128xf32, #tpu.memory_space<vmem>>
      %dma_start3A_201 = arith.constant 0 : i32
      %dma_start3A_202 = tpu.memref_slice %arg28[%add3A_15, %dma_start3A_201] : memref<10016x128xf32, #tpu.memory_space<vmem_shared>> -> memref<48x128xf32, #tpu.memory_space<vmem_shared>>
      %dma_start3A_203 = arith.constant 0 : i32
      %dma_start3A_204 = tpu.memref_slice %arg28[%add3A_15, %dma_start3A_203] : memref<10016x128xf32, #tpu.memory_space<vmem_shared>> -> memref<48x128xf32, #tpu.memory_space<vmem_shared>>
      %dma_start3A_205 = arith.constant 0 : i32
      %dma_start3A_206 = arith.constant 0 : i32
      %dma_start3A_207 = tpu.memref_slice %arg16[%dma_start3A_205, %dma_start3A_206] : memref<64x128xf32, #tpu.memory_space<vmem>> -> memref<48x128xf32, #tpu.memory_space<vmem>>
      tpu.enqueue_dma source(%dma_start3A_207 : memref<48x128xf32, #tpu.memory_space<vmem>>) target(%dma_start3A_204 : memref<48x128xf32, #tpu.memory_space<vmem_shared>>) target_semaphore(%run_scoped3A : memref<!tpu.dma_semaphore, #tpu.memory_space<semaphore_mem>>)
      %dma_wait3A_208 = arith.constant 0 : i32
      %dma_wait3A_209 = arith.constant 0 : i32
      %dma_wait3A_210 = tpu.memref_slice %arg16[%dma_wait3A_208, %dma_wait3A_209] : memref<64x128xf32, #tpu.memory_space<vmem>> -> memref<48x128xf32, #tpu.memory_space<vmem>>
      %dma_wait3A_211 = arith.constant 0 : i32
      %dma_wait3A_212 = tpu.memref_slice %arg28[%add3A_15, %dma_wait3A_211] : memref<10016x128xf32, #tpu.memory_space<vmem_shared>> -> memref<48x128xf32, #tpu.memory_space<vmem_shared>>
      %dma_wait3A_213 = arith.constant 0 : i32
      %dma_wait3A_214 = tpu.memref_slice %arg28[%add3A_15, %dma_wait3A_213] : memref<10016x128xf32, #tpu.memory_space<vmem_shared>> -> memref<48x128xf32, #tpu.memory_space<vmem_shared>>
      %dma_wait3A_215 = arith.constant 0 : i32
      %dma_wait3A_216 = arith.constant 0 : i32
      %dma_wait3A_217 = tpu.memref_slice %arg16[%dma_wait3A_215, %dma_wait3A_216] : memref<64x128xf32, #tpu.memory_space<vmem>> -> memref<48x128xf32, #tpu.memory_space<vmem>>
      tpu.wait_dma2 semaphore(%run_scoped3A : memref<!tpu.dma_semaphore, #tpu.memory_space<semaphore_mem>>) src(%dma_wait3A_217 : memref<48x128xf32, #tpu.memory_space<vmem>>) dst(%dma_wait3A_214 : memref<48x128xf32, #tpu.memory_space<vmem_shared>>)
      tpu.yield
    }) : () -> ()
    %eq3A = arith.constant 15 : i32
    %eq3A_16 = arith.cmpi eq, %arg1, %eq3A : i32
    %convert_element_type3A = arith.extui %eq3A_16 : i1 to i32
    %cond3A = arith.constant 0 : i32
    %cond3A_17 = arith.cmpi ne, %convert_element_type3A, %cond3A : i32
    scf.if %cond3A_17 {
      "tpu.region"() ({
        %run_scoped3A = tpu.sem_alloc : memref<!tpu.dma_semaphore, #tpu.memory_space<semaphore_mem>>
        %dma_start3A_198 = arith.constant 0 : i32
        %dma_start3A_199 = arith.constant 0 : i32
        %dma_start3A_200 = tpu.memref_slice %arg16[%dma_start3A_198, %dma_start3A_199] : memref<64x128xf32, #tpu.memory_space<vmem>> -> memref<32x128xf32, #tpu.memory_space<vmem>>
        %dma_start3A_201 = arith.constant 9984 : i32
        %dma_start3A_202 = arith.constant 0 : i32
        %dma_start3A_203 = tpu.memref_slice %arg28[%dma_start3A_201, %dma_start3A_202] : memref<10016x128xf32, #tpu.memory_space<vmem_shared>> -> memref<32x128xf32, #tpu.memory_space<vmem_shared>>
        %dma_start3A_204 = arith.constant 9984 : i32
        %dma_start3A_205 = arith.constant 0 : i32
        %dma_start3A_206 = tpu.memref_slice %arg28[%dma_start3A_204, %dma_start3A_205] : memref<10016x128xf32, #tpu.memory_space<vmem_shared>> -> memref<32x128xf32, #tpu.memory_space<vmem_shared>>
        %dma_start3A_207 = arith.constant 0 : i32
        %dma_start3A_208 = arith.constant 0 : i32
        %dma_start3A_209 = tpu.memref_slice %arg16[%dma_start3A_207, %dma_start3A_208] : memref<64x128xf32, #tpu.memory_space<vmem>> -> memref<32x128xf32, #tpu.memory_space<vmem>>
        tpu.enqueue_dma source(%dma_start3A_209 : memref<32x128xf32, #tpu.memory_space<vmem>>) target(%dma_start3A_206 : memref<32x128xf32, #tpu.memory_space<vmem_shared>>) target_semaphore(%run_scoped3A : memref<!tpu.dma_semaphore, #tpu.memory_space<semaphore_mem>>)
        %dma_wait3A_210 = arith.constant 0 : i32
        %dma_wait3A_211 = arith.constant 0 : i32
        %dma_wait3A_212 = tpu.memref_slice %arg16[%dma_wait3A_210, %dma_wait3A_211] : memref<64x128xf32, #tpu.memory_space<vmem>> -> memref<32x128xf32, #tpu.memory_space<vmem>>
        %dma_wait3A_213 = arith.constant 9984 : i32
        %dma_wait3A_214 = arith.constant 0 : i32
        %dma_wait3A_215 = tpu.memref_slice %arg28[%dma_wait3A_213, %dma_wait3A_214] : memref<10016x128xf32, #tpu.memory_space<vmem_shared>> -> memref<32x128xf32, #tpu.memory_space<vmem_shared>>
        %dma_wait3A_216 = arith.constant 9984 : i32
        %dma_wait3A_217 = arith.constant 0 : i32
        %dma_wait3A_218 = tpu.memref_slice %arg28[%dma_wait3A_216, %dma_wait3A_217] : memref<10016x128xf32, #tpu.memory_space<vmem_shared>> -> memref<32x128xf32, #tpu.memory_space<vmem_shared>>
        %dma_wait3A_219 = arith.constant 0 : i32
        %dma_wait3A_220 = arith.constant 0 : i32
        %dma_wait3A_221 = tpu.memref_slice %arg16[%dma_wait3A_219, %dma_wait3A_220] : memref<64x128xf32, #tpu.memory_space<vmem>> -> memref<32x128xf32, #tpu.memory_space<vmem>>
        tpu.wait_dma2 semaphore(%run_scoped3A : memref<!tpu.dma_semaphore, #tpu.memory_space<semaphore_mem>>) src(%dma_wait3A_221 : memref<32x128xf32, #tpu.memory_space<vmem>>) dst(%dma_wait3A_218 : memref<32x128xf32, #tpu.memory_space<vmem_shared>>)
        tpu.yield
      }) : () -> ()
    } else {
    }
    %barrier3A = arith.constant 0 : index
    tpu.barrier barrier_id(%barrier3A)
    %add3A_18 = arith.constant 0 : i32
    %add3A_19 = arith.addi %mul3A_2, %add3A_18 : i32
    %mul3A_20 = arith.constant 64 : i32
    %mul3A_21 = arith.muli %add3A_19, %mul3A_20 : i32
    %dma_start3A = arith.constant 0 : i32
    %dma_start3A_22 = arith.constant 0 : i32
    %dma_start3A_23 = tpu.memref_slice %arg7[%dma_start3A, %dma_start3A_22] : memref<2x64xi32, #tpu.memory_space<vmem>> -> memref<1x64xi32, #tpu.memory_space<vmem>>
    %dma_start3A_24 = tpu.memref_squeeze %dma_start3A_23 : memref<1x64xi32, #tpu.memory_space<vmem>> -> memref<64xi32, #tpu.memory_space<vmem>>
    %dma_start3A_25 = tpu.memref_slice %arg4[%mul3A_21] : memref<325632xi32, #tpu.memory_space<hbm>> -> memref<64xi32, #tpu.memory_space<hbm>>
    %dma_start3A_26 = arith.constant 0 : i32
    %dma_start3A_27 = tpu.memref_slice %arg7[%dma_start3A, %dma_start3A_26] : memref<2x64xi32, #tpu.memory_space<vmem>> -> memref<1x64xi32, #tpu.memory_space<vmem>>
    %dma_start3A_28 = tpu.memref_squeeze %dma_start3A_27 : memref<1x64xi32, #tpu.memory_space<vmem>> -> memref<64xi32, #tpu.memory_space<vmem>>
    %dma_start3A_29 = tpu.memref_slice %arg4[%mul3A_21] : memref<325632xi32, #tpu.memory_space<hbm>> -> memref<64xi32, #tpu.memory_space<hbm>>
    tpu.enqueue_dma source(%dma_start3A_29 : memref<64xi32, #tpu.memory_space<hbm>>) target(%dma_start3A_28 : memref<64xi32, #tpu.memory_space<vmem>>) target_semaphore(%arg25 : memref<!tpu.dma_semaphore, #tpu.memory_space<semaphore_mem>>)
    %dma_start3A_30 = arith.constant 1 : i32
    %dma_start3A_31 = arith.constant 0 : i32
    %dma_start3A_32 = tpu.memref_slice %arg7[%dma_start3A_30, %dma_start3A_31] : memref<2x64xi32, #tpu.memory_space<vmem>> -> memref<1x64xi32, #tpu.memory_space<vmem>>
    %dma_start3A_33 = tpu.memref_squeeze %dma_start3A_32 : memref<1x64xi32, #tpu.memory_space<vmem>> -> memref<64xi32, #tpu.memory_space<vmem>>
    %dma_start3A_34 = tpu.memref_slice %arg5[%mul3A_21] : memref<325632xi32, #tpu.memory_space<hbm>> -> memref<64xi32, #tpu.memory_space<hbm>>
    %dma_start3A_35 = arith.constant 0 : i32
    %dma_start3A_36 = tpu.memref_slice %arg7[%dma_start3A_30, %dma_start3A_35] : memref<2x64xi32, #tpu.memory_space<vmem>> -> memref<1x64xi32, #tpu.memory_space<vmem>>
    %dma_start3A_37 = tpu.memref_squeeze %dma_start3A_36 : memref<1x64xi32, #tpu.memory_space<vmem>> -> memref<64xi32, #tpu.memory_space<vmem>>
    %dma_start3A_38 = tpu.memref_slice %arg5[%mul3A_21] : memref<325632xi32, #tpu.memory_space<hbm>> -> memref<64xi32, #tpu.memory_space<hbm>>
    tpu.enqueue_dma source(%dma_start3A_38 : memref<64xi32, #tpu.memory_space<hbm>>) target(%dma_start3A_37 : memref<64xi32, #tpu.memory_space<vmem>>) target_semaphore(%arg25 : memref<!tpu.dma_semaphore, #tpu.memory_space<semaphore_mem>>)
    %add3A_39 = arith.constant 1 : i32
    %add3A_40 = arith.addi %mul3A_2, %add3A_39 : i32
    %mul3A_41 = arith.constant 64 : i32
    %mul3A_42 = arith.muli %add3A_40, %mul3A_41 : i32
    %dma_start3A_43 = arith.constant 0 : i32
    %dma_start3A_44 = arith.constant 0 : i32
    %dma_start3A_45 = tpu.memref_slice %arg8[%dma_start3A_43, %dma_start3A_44] : memref<2x64xi32, #tpu.memory_space<vmem>> -> memref<1x64xi32, #tpu.memory_space<vmem>>
    %dma_start3A_46 = tpu.memref_squeeze %dma_start3A_45 : memref<1x64xi32, #tpu.memory_space<vmem>> -> memref<64xi32, #tpu.memory_space<vmem>>
    %dma_start3A_47 = tpu.memref_slice %arg4[%mul3A_42] : memref<325632xi32, #tpu.memory_space<hbm>> -> memref<64xi32, #tpu.memory_space<hbm>>
    %dma_start3A_48 = arith.constant 0 : i32
    %dma_start3A_49 = tpu.memref_slice %arg8[%dma_start3A_43, %dma_start3A_48] : memref<2x64xi32, #tpu.memory_space<vmem>> -> memref<1x64xi32, #tpu.memory_space<vmem>>
    %dma_start3A_50 = tpu.memref_squeeze %dma_start3A_49 : memref<1x64xi32, #tpu.memory_space<vmem>> -> memref<64xi32, #tpu.memory_space<vmem>>
    %dma_start3A_51 = tpu.memref_slice %arg4[%mul3A_42] : memref<325632xi32, #tpu.memory_space<hbm>> -> memref<64xi32, #tpu.memory_space<hbm>>
    tpu.enqueue_dma source(%dma_start3A_51 : memref<64xi32, #tpu.memory_space<hbm>>) target(%dma_start3A_50 : memref<64xi32, #tpu.memory_space<vmem>>) target_semaphore(%arg26 : memref<!tpu.dma_semaphore, #tpu.memory_space<semaphore_mem>>)
    %dma_start3A_52 = arith.constant 1 : i32
    %dma_start3A_53 = arith.constant 0 : i32
    %dma_start3A_54 = tpu.memref_slice %arg8[%dma_start3A_52, %dma_start3A_53] : memref<2x64xi32, #tpu.memory_space<vmem>> -> memref<1x64xi32, #tpu.memory_space<vmem>>
    %dma_start3A_55 = tpu.memref_squeeze %dma_start3A_54 : memref<1x64xi32, #tpu.memory_space<vmem>> -> memref<64xi32, #tpu.memory_space<vmem>>
    %dma_start3A_56 = tpu.memref_slice %arg5[%mul3A_42] : memref<325632xi32, #tpu.memory_space<hbm>> -> memref<64xi32, #tpu.memory_space<hbm>>
    %dma_start3A_57 = arith.constant 0 : i32
    %dma_start3A_58 = tpu.memref_slice %arg8[%dma_start3A_52, %dma_start3A_57] : memref<2x64xi32, #tpu.memory_space<vmem>> -> memref<1x64xi32, #tpu.memory_space<vmem>>
    %dma_start3A_59 = tpu.memref_squeeze %dma_start3A_58 : memref<1x64xi32, #tpu.memory_space<vmem>> -> memref<64xi32, #tpu.memory_space<vmem>>
    %dma_start3A_60 = tpu.memref_slice %arg5[%mul3A_42] : memref<325632xi32, #tpu.memory_space<hbm>> -> memref<64xi32, #tpu.memory_space<hbm>>
    tpu.enqueue_dma source(%dma_start3A_60 : memref<64xi32, #tpu.memory_space<hbm>>) target(%dma_start3A_59 : memref<64xi32, #tpu.memory_space<vmem>>) target_semaphore(%arg26 : memref<!tpu.dma_semaphore, #tpu.memory_space<semaphore_mem>>)
    %add3A_61 = arith.constant 2 : i32
    %add3A_62 = arith.addi %mul3A_2, %add3A_61 : i32
    %mul3A_63 = arith.constant 64 : i32
    %mul3A_64 = arith.muli %add3A_62, %mul3A_63 : i32
    %dma_start3A_65 = arith.constant 0 : i32
    %dma_start3A_66 = arith.constant 0 : i32
    %dma_start3A_67 = tpu.memref_slice %arg9[%dma_start3A_65, %dma_start3A_66] : memref<2x64xi32, #tpu.memory_space<vmem>> -> memref<1x64xi32, #tpu.memory_space<vmem>>
    %dma_start3A_68 = tpu.memref_squeeze %dma_start3A_67 : memref<1x64xi32, #tpu.memory_space<vmem>> -> memref<64xi32, #tpu.memory_space<vmem>>
    %dma_start3A_69 = tpu.memref_slice %arg4[%mul3A_64] : memref<325632xi32, #tpu.memory_space<hbm>> -> memref<64xi32, #tpu.memory_space<hbm>>
    %dma_start3A_70 = arith.constant 0 : i32
    %dma_start3A_71 = tpu.memref_slice %arg9[%dma_start3A_65, %dma_start3A_70] : memref<2x64xi32, #tpu.memory_space<vmem>> -> memref<1x64xi32, #tpu.memory_space<vmem>>
    %dma_start3A_72 = tpu.memref_squeeze %dma_start3A_71 : memref<1x64xi32, #tpu.memory_space<vmem>> -> memref<64xi32, #tpu.memory_space<vmem>>
    %dma_start3A_73 = tpu.memref_slice %arg4[%mul3A_64] : memref<325632xi32, #tpu.memory_space<hbm>> -> memref<64xi32, #tpu.memory_space<hbm>>
    tpu.enqueue_dma source(%dma_start3A_73 : memref<64xi32, #tpu.memory_space<hbm>>) target(%dma_start3A_72 : memref<64xi32, #tpu.memory_space<vmem>>) target_semaphore(%arg27 : memref<!tpu.dma_semaphore, #tpu.memory_space<semaphore_mem>>)
    %dma_start3A_74 = arith.constant 1 : i32
    %dma_start3A_75 = arith.constant 0 : i32
    %dma_start3A_76 = tpu.memref_slice %arg9[%dma_start3A_74, %dma_start3A_75] : memref<2x64xi32, #tpu.memory_space<vmem>> -> memref<1x64xi32, #tpu.memory_space<vmem>>
    %dma_start3A_77 = tpu.memref_squeeze %dma_start3A_76 : memref<1x64xi32, #tpu.memory_space<vmem>> -> memref<64xi32, #tpu.memory_space<vmem>>
    %dma_start3A_78 = tpu.memref_slice %arg5[%mul3A_64] : memref<325632xi32, #tpu.memory_space<hbm>> -> memref<64xi32, #tpu.memory_space<hbm>>
    %dma_start3A_79 = arith.constant 0 : i32
    %dma_start3A_80 = tpu.memref_slice %arg9[%dma_start3A_74, %dma_start3A_79] : memref<2x64xi32, #tpu.memory_space<vmem>> -> memref<1x64xi32, #tpu.memory_space<vmem>>
    %dma_start3A_81 = tpu.memref_squeeze %dma_start3A_80 : memref<1x64xi32, #tpu.memory_space<vmem>> -> memref<64xi32, #tpu.memory_space<vmem>>
    %dma_start3A_82 = tpu.memref_slice %arg5[%mul3A_64] : memref<325632xi32, #tpu.memory_space<hbm>> -> memref<64xi32, #tpu.memory_space<hbm>>
    tpu.enqueue_dma source(%dma_start3A_82 : memref<64xi32, #tpu.memory_space<hbm>>) target(%dma_start3A_81 : memref<64xi32, #tpu.memory_space<vmem>>) target_semaphore(%arg27 : memref<!tpu.dma_semaphore, #tpu.memory_space<semaphore_mem>>)
    %dma_wait3A = arith.constant 0 : i32
    %dma_wait3A_83 = arith.constant 0 : i32
    %dma_wait3A_84 = tpu.memref_slice %arg7[%dma_wait3A, %dma_wait3A_83] : memref<2x64xi32, #tpu.memory_space<vmem>> -> memref<1x64xi32, #tpu.memory_space<vmem>>
    %dma_wait3A_85 = tpu.memref_squeeze %dma_wait3A_84 : memref<1x64xi32, #tpu.memory_space<vmem>> -> memref<64xi32, #tpu.memory_space<vmem>>
    %dma_wait3A_86 = arith.constant 0 : i32
    %dma_wait3A_87 = tpu.memref_slice %arg4[%dma_wait3A_86] : memref<325632xi32, #tpu.memory_space<hbm>> -> memref<64xi32, #tpu.memory_space<hbm>>
    %dma_wait3A_88 = arith.constant 0 : i32
    %dma_wait3A_89 = tpu.memref_slice %arg7[%dma_wait3A, %dma_wait3A_88] : memref<2x64xi32, #tpu.memory_space<vmem>> -> memref<1x64xi32, #tpu.memory_space<vmem>>
    %dma_wait3A_90 = tpu.memref_squeeze %dma_wait3A_89 : memref<1x64xi32, #tpu.memory_space<vmem>> -> memref<64xi32, #tpu.memory_space<vmem>>
    %dma_wait3A_91 = arith.constant 0 : i32
    %dma_wait3A_92 = tpu.memref_slice %arg4[%dma_wait3A_91] : memref<325632xi32, #tpu.memory_space<hbm>> -> memref<64xi32, #tpu.memory_space<hbm>>
    tpu.wait_dma2 semaphore(%arg25 : memref<!tpu.dma_semaphore, #tpu.memory_space<semaphore_mem>>) src(%dma_wait3A_92 : memref<64xi32, #tpu.memory_space<hbm>>) dst(%dma_wait3A_90 : memref<64xi32, #tpu.memory_space<vmem>>)
    %dma_wait3A_93 = arith.constant 1 : i32
    %dma_wait3A_94 = arith.constant 0 : i32
    %dma_wait3A_95 = tpu.memref_slice %arg7[%dma_wait3A_93, %dma_wait3A_94] : memref<2x64xi32, #tpu.memory_space<vmem>> -> memref<1x64xi32, #tpu.memory_space<vmem>>
    %dma_wait3A_96 = tpu.memref_squeeze %dma_wait3A_95 : memref<1x64xi32, #tpu.memory_space<vmem>> -> memref<64xi32, #tpu.memory_space<vmem>>
    %dma_wait3A_97 = arith.constant 0 : i32
    %dma_wait3A_98 = tpu.memref_slice %arg5[%dma_wait3A_97] : memref<325632xi32, #tpu.memory_space<hbm>> -> memref<64xi32, #tpu.memory_space<hbm>>
    %dma_wait3A_99 = arith.constant 0 : i32
    %dma_wait3A_100 = tpu.memref_slice %arg7[%dma_wait3A_93, %dma_wait3A_99] : memref<2x64xi32, #tpu.memory_space<vmem>> -> memref<1x64xi32, #tpu.memory_space<vmem>>
    %dma_wait3A_101 = tpu.memref_squeeze %dma_wait3A_100 : memref<1x64xi32, #tpu.memory_space<vmem>> -> memref<64xi32, #tpu.memory_space<vmem>>
    %dma_wait3A_102 = arith.constant 0 : i32
    %dma_wait3A_103 = tpu.memref_slice %arg5[%dma_wait3A_102] : memref<325632xi32, #tpu.memory_space<hbm>> -> memref<64xi32, #tpu.memory_space<hbm>>
    tpu.wait_dma2 semaphore(%arg25 : memref<!tpu.dma_semaphore, #tpu.memory_space<semaphore_mem>>) src(%dma_wait3A_103 : memref<64xi32, #tpu.memory_space<hbm>>) dst(%dma_wait3A_101 : memref<64xi32, #tpu.memory_space<vmem>>)
    %dma_start3A_104 = arith.constant 0 : i32
    %dma_start3A_105 = arith.constant 0 : i32
    %dma_start3A_106 = arith.constant 0 : i32
    %dma_start3A_107 = tpu.memref_slice %arg13[%dma_start3A_105, %dma_start3A_106] : memref<128x64xi32, #tpu.memory_space<vmem>> -> memref<64x64xi32, #tpu.memory_space<vmem>>
    %dma_start3A_108 = arith.constant 0 : i32
    %dma_start3A_109 = tpu.memref_slice %arg7[%dma_start3A_104, %dma_start3A_108] : memref<2x64xi32, #tpu.memory_space<vmem>> -> memref<1x64xi32, #tpu.memory_space<vmem>>
    %dma_start3A_110 = tpu.memref_squeeze %dma_start3A_109 : memref<1x64xi32, #tpu.memory_space<vmem>> -> memref<64xi32, #tpu.memory_space<vmem>>
    %dma_start3A_111 = arith.constant 0 : i32
    %dma_start3A_112 = arith.constant 0 : i32
    %dma_start3A_113 = tpu.memref_slice %arg2[%dma_start3A_111, %dma_start3A_112] : memref<10016x64xi32, #tpu.memory_space<hbm>> -> memref<10016x64xi32, #tpu.memory_space<hbm>>
    tpu.enqueue_indirect_dma source(%dma_start3A_113 : memref<10016x64xi32, #tpu.memory_space<hbm>>) target(%dma_start3A_107 : memref<64x64xi32, #tpu.memory_space<vmem>>) offsets(%dma_start3A_110 : memref<64xi32, #tpu.memory_space<vmem>>) semaphore(%arg19 : memref<!tpu.dma_semaphore, #tpu.memory_space<semaphore_mem>>)
    %dma_start3A_114 = arith.constant 1 : i32
    %dma_start3A_115 = arith.constant 64 : i32
    %dma_start3A_116 = arith.constant 0 : i32
    %dma_start3A_117 = tpu.memref_slice %arg13[%dma_start3A_115, %dma_start3A_116] : memref<128x64xi32, #tpu.memory_space<vmem>> -> memref<64x64xi32, #tpu.memory_space<vmem>>
    %dma_start3A_118 = arith.constant 0 : i32
    %dma_start3A_119 = tpu.memref_slice %arg7[%dma_start3A_114, %dma_start3A_118] : memref<2x64xi32, #tpu.memory_space<vmem>> -> memref<1x64xi32, #tpu.memory_space<vmem>>
    %dma_start3A_120 = tpu.memref_squeeze %dma_start3A_119 : memref<1x64xi32, #tpu.memory_space<vmem>> -> memref<64xi32, #tpu.memory_space<vmem>>
    %dma_start3A_121 = arith.constant 0 : i32
    %dma_start3A_122 = arith.constant 0 : i32
    %dma_start3A_123 = tpu.memref_slice %arg3[%dma_start3A_121, %dma_start3A_122] : memref<10016x64xi32, #tpu.memory_space<hbm>> -> memref<10016x64xi32, #tpu.memory_space<hbm>>
    tpu.enqueue_indirect_dma source(%dma_start3A_123 : memref<10016x64xi32, #tpu.memory_space<hbm>>) target(%dma_start3A_117 : memref<64x64xi32, #tpu.memory_space<vmem>>) offsets(%dma_start3A_120 : memref<64xi32, #tpu.memory_space<vmem>>) semaphore(%arg19 : memref<!tpu.dma_semaphore, #tpu.memory_space<semaphore_mem>>)
    %dma_wait3A_124 = arith.constant 0 : i32
    %dma_wait3A_125 = arith.constant 0 : i32
    %dma_wait3A_126 = tpu.memref_slice %arg8[%dma_wait3A_124, %dma_wait3A_125] : memref<2x64xi32, #tpu.memory_space<vmem>> -> memref<1x64xi32, #tpu.memory_space<vmem>>
    %dma_wait3A_127 = tpu.memref_squeeze %dma_wait3A_126 : memref<1x64xi32, #tpu.memory_space<vmem>> -> memref<64xi32, #tpu.memory_space<vmem>>
    %dma_wait3A_128 = arith.constant 0 : i32
    %dma_wait3A_129 = tpu.memref_slice %arg4[%dma_wait3A_128] : memref<325632xi32, #tpu.memory_space<hbm>> -> memref<64xi32, #tpu.memory_space<hbm>>
    %dma_wait3A_130 = arith.constant 0 : i32
    %dma_wait3A_131 = tpu.memref_slice %arg8[%dma_wait3A_124, %dma_wait3A_130] : memref<2x64xi32, #tpu.memory_space<vmem>> -> memref<1x64xi32, #tpu.memory_space<vmem>>
    %dma_wait3A_132 = tpu.memref_squeeze %dma_wait3A_131 : memref<1x64xi32, #tpu.memory_space<vmem>> -> memref<64xi32, #tpu.memory_space<vmem>>
    %dma_wait3A_133 = arith.constant 0 : i32
    %dma_wait3A_134 = tpu.memref_slice %arg4[%dma_wait3A_133] : memref<325632xi32, #tpu.memory_space<hbm>> -> memref<64xi32, #tpu.memory_space<hbm>>
    tpu.wait_dma2 semaphore(%arg26 : memref<!tpu.dma_semaphore, #tpu.memory_space<semaphore_mem>>) src(%dma_wait3A_134 : memref<64xi32, #tpu.memory_space<hbm>>) dst(%dma_wait3A_132 : memref<64xi32, #tpu.memory_space<vmem>>)
    %dma_wait3A_135 = arith.constant 1 : i32
    %dma_wait3A_136 = arith.constant 0 : i32
    %dma_wait3A_137 = tpu.memref_slice %arg8[%dma_wait3A_135, %dma_wait3A_136] : memref<2x64xi32, #tpu.memory_space<vmem>> -> memref<1x64xi32, #tpu.memory_space<vmem>>
    %dma_wait3A_138 = tpu.memref_squeeze %dma_wait3A_137 : memref<1x64xi32, #tpu.memory_space<vmem>> -> memref<64xi32, #tpu.memory_space<vmem>>
    %dma_wait3A_139 = arith.constant 0 : i32
    %dma_wait3A_140 = tpu.memref_slice %arg5[%dma_wait3A_139] : memref<325632xi32, #tpu.memory_space<hbm>> -> memref<64xi32, #tpu.memory_space<hbm>>
    %dma_wait3A_141 = arith.constant 0 : i32
    %dma_wait3A_142 = tpu.memref_slice %arg8[%dma_wait3A_135, %dma_wait3A_141] : memref<2x64xi32, #tpu.memory_space<vmem>> -> memref<1x64xi32, #tpu.memory_space<vmem>>
    %dma_wait3A_143 = tpu.memref_squeeze %dma_wait3A_142 : memref<1x64xi32, #tpu.memory_space<vmem>> -> memref<64xi32, #tpu.memory_space<vmem>>
    %dma_wait3A_144 = arith.constant 0 : i32
    %dma_wait3A_145 = tpu.memref_slice %arg5[%dma_wait3A_144] : memref<325632xi32, #tpu.memory_space<hbm>> -> memref<64xi32, #tpu.memory_space<hbm>>
    tpu.wait_dma2 semaphore(%arg26 : memref<!tpu.dma_semaphore, #tpu.memory_space<semaphore_mem>>) src(%dma_wait3A_145 : memref<64xi32, #tpu.memory_space<hbm>>) dst(%dma_wait3A_143 : memref<64xi32, #tpu.memory_space<vmem>>)
    %dma_start3A_146 = arith.constant 0 : i32
    %dma_start3A_147 = arith.constant 0 : i32
    %dma_start3A_148 = arith.constant 0 : i32
    %dma_start3A_149 = tpu.memref_slice %arg14[%dma_start3A_147, %dma_start3A_148] : memref<128x64xi32, #tpu.memory_space<vmem>> -> memref<64x64xi32, #tpu.memory_space<vmem>>
    %dma_start3A_150 = arith.constant 0 : i32
    %dma_start3A_151 = tpu.memref_slice %arg8[%dma_start3A_146, %dma_start3A_150] : memref<2x64xi32, #tpu.memory_space<vmem>> -> memref<1x64xi32, #tpu.memory_space<vmem>>
    %dma_start3A_152 = tpu.memref_squeeze %dma_start3A_151 : memref<1x64xi32, #tpu.memory_space<vmem>> -> memref<64xi32, #tpu.memory_space<vmem>>
    %dma_start3A_153 = arith.constant 0 : i32
    %dma_start3A_154 = arith.constant 0 : i32
    %dma_start3A_155 = tpu.memref_slice %arg2[%dma_start3A_153, %dma_start3A_154] : memref<10016x64xi32, #tpu.memory_space<hbm>> -> memref<10016x64xi32, #tpu.memory_space<hbm>>
    tpu.enqueue_indirect_dma source(%dma_start3A_155 : memref<10016x64xi32, #tpu.memory_space<hbm>>) target(%dma_start3A_149 : memref<64x64xi32, #tpu.memory_space<vmem>>) offsets(%dma_start3A_152 : memref<64xi32, #tpu.memory_space<vmem>>) semaphore(%arg20 : memref<!tpu.dma_semaphore, #tpu.memory_space<semaphore_mem>>)
    %dma_start3A_156 = arith.constant 1 : i32
    %dma_start3A_157 = arith.constant 64 : i32
    %dma_start3A_158 = arith.constant 0 : i32
    %dma_start3A_159 = tpu.memref_slice %arg14[%dma_start3A_157, %dma_start3A_158] : memref<128x64xi32, #tpu.memory_space<vmem>> -> memref<64x64xi32, #tpu.memory_space<vmem>>
    %dma_start3A_160 = arith.constant 0 : i32
    %dma_start3A_161 = tpu.memref_slice %arg8[%dma_start3A_156, %dma_start3A_160] : memref<2x64xi32, #tpu.memory_space<vmem>> -> memref<1x64xi32, #tpu.memory_space<vmem>>
    %dma_start3A_162 = tpu.memref_squeeze %dma_start3A_161 : memref<1x64xi32, #tpu.memory_space<vmem>> -> memref<64xi32, #tpu.memory_space<vmem>>
    %dma_start3A_163 = arith.constant 0 : i32
    %dma_start3A_164 = arith.constant 0 : i32
    %dma_start3A_165 = tpu.memref_slice %arg3[%dma_start3A_163, %dma_start3A_164] : memref<10016x64xi32, #tpu.memory_space<hbm>> -> memref<10016x64xi32, #tpu.memory_space<hbm>>
    tpu.enqueue_indirect_dma source(%dma_start3A_165 : memref<10016x64xi32, #tpu.memory_space<hbm>>) target(%dma_start3A_159 : memref<64x64xi32, #tpu.memory_space<vmem>>) offsets(%dma_start3A_162 : memref<64xi32, #tpu.memory_space<vmem>>) semaphore(%arg20 : memref<!tpu.dma_semaphore, #tpu.memory_space<semaphore_mem>>)
    %scan3A_166 = arith.constant 0 : i32
    %scan3A_167 = arith.constant 53 : i32
    %scan3A_168 = arith.addi %scan3A_166, %scan3A_167 : i32
    %scan3A_169 = arith.constant 1 : i32
    scf.for %scan3A_198 = %scan3A_166 to %scan3A_168 step %scan3A_169  : i32 {
      %mul3A_199 = arith.constant 3 : i32
      %mul3A_200 = arith.muli %scan3A_198, %mul3A_199 : i32
      %add3A_201 = arith.constant 0 : i32
      %add3A_202 = arith.addi %add3A_201, %mul3A_200 : i32
      %add3A_203 = arith.constant 0 : i32
      %add3A_204 = arith.addi %add3A_202, %add3A_203 : i32
      %dma_wait3A_205 = arith.constant 0 : i32
      %dma_wait3A_206 = arith.constant 0 : i32
      %dma_wait3A_207 = arith.constant 0 : i32
      %dma_wait3A_208 = tpu.memref_slice %arg13[%dma_wait3A_206, %dma_wait3A_207] : memref<128x64xi32, #tpu.memory_space<vmem>> -> memref<64x64xi32, #tpu.memory_space<vmem>>
      %dma_wait3A_209 = arith.constant 0 : i32
      %dma_wait3A_210 = tpu.memref_slice %arg7[%dma_wait3A_205, %dma_wait3A_209] : memref<2x64xi32, #tpu.memory_space<vmem>> -> memref<1x64xi32, #tpu.memory_space<vmem>>
      %dma_wait3A_211 = tpu.memref_squeeze %dma_wait3A_210 : memref<1x64xi32, #tpu.memory_space<vmem>> -> memref<64xi32, #tpu.memory_space<vmem>>
      %dma_wait3A_212 = arith.constant 0 : i32
      %dma_wait3A_213 = arith.constant 0 : i32
      %dma_wait3A_214 = tpu.memref_slice %arg2[%dma_wait3A_212, %dma_wait3A_213] : memref<10016x64xi32, #tpu.memory_space<hbm>> -> memref<10016x64xi32, #tpu.memory_space<hbm>>
      tpu.wait_indirect_dma semaphore(%arg19 : memref<!tpu.dma_semaphore, #tpu.memory_space<semaphore_mem>>) src(%dma_wait3A_214 : memref<10016x64xi32, #tpu.memory_space<hbm>>) dst(%dma_wait3A_208 : memref<64x64xi32, #tpu.memory_space<vmem>>)
      %dma_wait3A_215 = arith.constant 1 : i32
      %dma_wait3A_216 = arith.constant 64 : i32
      %dma_wait3A_217 = arith.constant 0 : i32
      %dma_wait3A_218 = tpu.memref_slice %arg13[%dma_wait3A_216, %dma_wait3A_217] : memref<128x64xi32, #tpu.memory_space<vmem>> -> memref<64x64xi32, #tpu.memory_space<vmem>>
      %dma_wait3A_219 = arith.constant 0 : i32
      %dma_wait3A_220 = tpu.memref_slice %arg7[%dma_wait3A_215, %dma_wait3A_219] : memref<2x64xi32, #tpu.memory_space<vmem>> -> memref<1x64xi32, #tpu.memory_space<vmem>>
      %dma_wait3A_221 = tpu.memref_squeeze %dma_wait3A_220 : memref<1x64xi32, #tpu.memory_space<vmem>> -> memref<64xi32, #tpu.memory_space<vmem>>
      %dma_wait3A_222 = arith.constant 0 : i32
      %dma_wait3A_223 = arith.constant 0 : i32
      %dma_wait3A_224 = tpu.memref_slice %arg3[%dma_wait3A_222, %dma_wait3A_223] : memref<10016x64xi32, #tpu.memory_space<hbm>> -> memref<10016x64xi32, #tpu.memory_space<hbm>>
      tpu.wait_indirect_dma semaphore(%arg19 : memref<!tpu.dma_semaphore, #tpu.memory_space<semaphore_mem>>) src(%dma_wait3A_224 : memref<10016x64xi32, #tpu.memory_space<hbm>>) dst(%dma_wait3A_218 : memref<64x64xi32, #tpu.memory_space<vmem>>)
      %ge3A = arith.constant 3 : i32
      %ge3A_225 = arith.cmpi sge, %add3A_204, %ge3A : i32
      %convert_element_type3A_226 = arith.extui %ge3A_225 : i1 to i32
      %cond3A_227 = arith.constant 0 : i32
      %cond3A_228 = arith.cmpi ne, %convert_element_type3A_226, %cond3A_227 : i32
      scf.if %cond3A_228 {
        %dma_wait3A_442 = arith.constant 0 : i32
        %dma_wait3A_443 = arith.constant 0 : i32
        %dma_wait3A_444 = tpu.memref_slice %arg10[%dma_wait3A_442, %dma_wait3A_443] : memref<1x64xi32, #tpu.memory_space<vmem>> -> memref<1x64xi32, #tpu.memory_space<vmem>>
        %dma_wait3A_445 = tpu.memref_squeeze %dma_wait3A_444 : memref<1x64xi32, #tpu.memory_space<vmem>> -> memref<64xi32, #tpu.memory_space<vmem>>
        %dma_wait3A_446 = arith.constant 0 : i32
        %dma_wait3A_447 = arith.constant 0 : i32
        %dma_wait3A_448 = tpu.memref_slice %arg28[%dma_wait3A_446, %dma_wait3A_447] : memref<10016x128xf32, #tpu.memory_space<vmem_shared>> -> memref<10016x128xf32, #tpu.memory_space<vmem_shared>>
        tpu.wait_indirect_dma semaphore(%arg22 : memref<!tpu.dma_semaphore, #tpu.memory_space<semaphore_mem>>) src(%arg16 : memref<64x128xf32, #tpu.memory_space<vmem>>) dst(%dma_wait3A_448 : memref<10016x128xf32, #tpu.memory_space<vmem_shared>>)
      } else {
      }
      %get3A = arith.constant 1 : i32
      %get3A_229 = arith.index_cast %get3A : i32 to index
      %get3A_230 = arith.constant 0 : index
      %get3A_231 = tpu.vector_load %arg7[%get3A_229, %get3A_230] {strides = array<i32>} : memref<2x64xi32, #tpu.memory_space<vmem>>, vector<16xi32>,
      %swap3A = arith.constant 0 : i32
      %swap3A_232 = arith.index_cast %swap3A : i32 to index
      %swap3A_233 = arith.constant 0 : index
      %swap3A_234 = tpu.vector_load %arg10[%swap3A_232, %swap3A_233] {strides = array<i32>} : memref<1x64xi32, #tpu.memory_space<vmem>>, vector<16xi32>,
      tpu.vector_store %arg10[%swap3A_232, %swap3A_233], %get3A_231 {strides = array<i32>} : memref<1x64xi32, #tpu.memory_space<vmem>>, vector<16xi32>,
      %get3A_235 = arith.constant 1 : i32
      %get3A_236 = arith.index_cast %get3A_235 : i32 to index
      %get3A_237 = arith.constant 16 : index
      %get3A_238 = tpu.vector_load %arg7[%get3A_236, %get3A_237] {strides = array<i32>} : memref<2x64xi32, #tpu.memory_space<vmem>>, vector<16xi32>,
      %swap3A_239 = arith.constant 0 : i32
      %swap3A_240 = arith.index_cast %swap3A_239 : i32 to index
      %swap3A_241 = arith.constant 16 : index
      %swap3A_242 = tpu.vector_load %arg10[%swap3A_240, %swap3A_241] {strides = array<i32>} : memref<1x64xi32, #tpu.memory_space<vmem>>, vector<16xi32>,
      tpu.vector_store %arg10[%swap3A_240, %swap3A_241], %get3A_238 {strides = array<i32>} : memref<1x64xi32, #tpu.memory_space<vmem>>, vector<16xi32>,
      %get3A_243 = arith.constant 1 : i32
      %get3A_244 = arith.index_cast %get3A_243 : i32 to index
      %get3A_245 = arith.constant 32 : index
      %get3A_246 = tpu.vector_load %arg7[%get3A_244, %get3A_245] {strides = array<i32>} : memref<2x64xi32, #tpu.memory_space<vmem>>, vector<16xi32>,
      %swap3A_247 = arith.constant 0 : i32
      %swap3A_248 = arith.index_cast %swap3A_247 : i32 to index
      %swap3A_249 = arith.constant 32 : index
      %swap3A_250 = tpu.vector_load %arg10[%swap3A_248, %swap3A_249] {strides = array<i32>} : memref<1x64xi32, #tpu.memory_space<vmem>>, vector<16xi32>,
      tpu.vector_store %arg10[%swap3A_248, %swap3A_249], %get3A_246 {strides = array<i32>} : memref<1x64xi32, #tpu.memory_space<vmem>>, vector<16xi32>,
      %get3A_251 = arith.constant 1 : i32
      %get3A_252 = arith.index_cast %get3A_251 : i32 to index
      %get3A_253 = arith.constant 48 : index
      %get3A_254 = tpu.vector_load %arg7[%get3A_252, %get3A_253] {strides = array<i32>} : memref<2x64xi32, #tpu.memory_space<vmem>>, vector<16xi32>,
      %swap3A_255 = arith.constant 0 : i32
      %swap3A_256 = arith.index_cast %swap3A_255 : i32 to index
      %swap3A_257 = arith.constant 48 : index
      %swap3A_258 = tpu.vector_load %arg10[%swap3A_256, %swap3A_257] {strides = array<i32>} : memref<1x64xi32, #tpu.memory_space<vmem>>, vector<16xi32>,
      tpu.vector_store %arg10[%swap3A_256, %swap3A_257], %get3A_254 {strides = array<i32>} : memref<1x64xi32, #tpu.memory_space<vmem>>, vector<16xi32>,
      %lt3A = arith.constant 156 : i32
      %lt3A_259 = arith.cmpi slt, %add3A_204, %lt3A : i32
      %convert_element_type3A_260 = arith.extui %lt3A_259 : i1 to i32
      %cond3A_261 = arith.constant 0 : i32
      %cond3A_262 = arith.cmpi ne, %convert_element_type3A_260, %cond3A_261 : i32
      scf.if %cond3A_262 {
        %add3A_442 = arith.constant 3 : i32
        %add3A_443 = arith.addi %add3A_204, %add3A_442 : i32
        %add3A_444 = arith.addi %mul3A_2, %add3A_443 : i32
        %mul3A_445 = arith.constant 64 : i32
        %mul3A_446 = arith.muli %add3A_444, %mul3A_445 : i32
        %dma_start3A_447 = arith.constant 0 : i32
        %dma_start3A_448 = arith.constant 0 : i32
        %dma_start3A_449 = tpu.memref_slice %arg7[%dma_start3A_447, %dma_start3A_448] : memref<2x64xi32, #tpu.memory_space<vmem>> -> memref<1x64xi32, #tpu.memory_space<vmem>>
        %dma_start3A_450 = tpu.memref_squeeze %dma_start3A_449 : memref<1x64xi32, #tpu.memory_space<vmem>> -> memref<64xi32, #tpu.memory_space<vmem>>
        %dma_start3A_451 = tpu.memref_slice %arg4[%mul3A_446] : memref<325632xi32, #tpu.memory_space<hbm>> -> memref<64xi32, #tpu.memory_space<hbm>>
        %dma_start3A_452 = arith.constant 0 : i32
        %dma_start3A_453 = tpu.memref_slice %arg7[%dma_start3A_447, %dma_start3A_452] : memref<2x64xi32, #tpu.memory_space<vmem>> -> memref<1x64xi32, #tpu.memory_space<vmem>>
        %dma_start3A_454 = tpu.memref_squeeze %dma_start3A_453 : memref<1x64xi32, #tpu.memory_space<vmem>> -> memref<64xi32, #tpu.memory_space<vmem>>
        %dma_start3A_455 = tpu.memref_slice %arg4[%mul3A_446] : memref<325632xi32, #tpu.memory_space<hbm>> -> memref<64xi32, #tpu.memory_space<hbm>>
        tpu.enqueue_dma source(%dma_start3A_455 : memref<64xi32, #tpu.memory_space<hbm>>) target(%dma_start3A_454 : memref<64xi32, #tpu.memory_space<vmem>>) target_semaphore(%arg25 : memref<!tpu.dma_semaphore, #tpu.memory_space<semaphore_mem>>)
        %dma_start3A_456 = arith.constant 1 : i32
        %dma_start3A_457 = arith.constant 0 : i32
        %dma_start3A_458 = tpu.memref_slice %arg7[%dma_start3A_456, %dma_start3A_457] : memref<2x64xi32, #tpu.memory_space<vmem>> -> memref<1x64xi32, #tpu.memory_space<vmem>>
        %dma_start3A_459 = tpu.memref_squeeze %dma_start3A_458 : memref<1x64xi32, #tpu.memory_space<vmem>> -> memref<64xi32, #tpu.memory_space<vmem>>
        %dma_start3A_460 = tpu.memref_slice %arg5[%mul3A_446] : memref<325632xi32, #tpu.memory_space<hbm>> -> memref<64xi32, #tpu.memory_space<hbm>>
        %dma_start3A_461 = arith.constant 0 : i32
        %dma_start3A_462 = tpu.memref_slice %arg7[%dma_start3A_456, %dma_start3A_461] : memref<2x64xi32, #tpu.memory_space<vmem>> -> memref<1x64xi32, #tpu.memory_space<vmem>>
        %dma_start3A_463 = tpu.memref_squeeze %dma_start3A_462 : memref<1x64xi32, #tpu.memory_space<vmem>> -> memref<64xi32, #tpu.memory_space<vmem>>
        %dma_start3A_464 = tpu.memref_slice %arg5[%mul3A_446] : memref<325632xi32, #tpu.memory_space<hbm>> -> memref<64xi32, #tpu.memory_space<hbm>>
        tpu.enqueue_dma source(%dma_start3A_464 : memref<64xi32, #tpu.memory_space<hbm>>) target(%dma_start3A_463 : memref<64xi32, #tpu.memory_space<vmem>>) target_semaphore(%arg25 : memref<!tpu.dma_semaphore, #tpu.memory_space<semaphore_mem>>)
      } else {
      }
      %lt3A_263 = arith.constant 157 : i32
      %lt3A_264 = arith.cmpi slt, %add3A_204, %lt3A_263 : i32
      %convert_element_type3A_265 = arith.extui %lt3A_264 : i1 to i32
      %cond3A_266 = arith.constant 0 : i32
      %cond3A_267 = arith.cmpi ne, %convert_element_type3A_265, %cond3A_266 : i32
      scf.if %cond3A_267 {
        %dma_wait3A_442 = arith.constant 0 : i32
        %dma_wait3A_443 = arith.constant 0 : i32
        %dma_wait3A_444 = tpu.memref_slice %arg9[%dma_wait3A_442, %dma_wait3A_443] : memref<2x64xi32, #tpu.memory_space<vmem>> -> memref<1x64xi32, #tpu.memory_space<vmem>>
        %dma_wait3A_445 = tpu.memref_squeeze %dma_wait3A_444 : memref<1x64xi32, #tpu.memory_space<vmem>> -> memref<64xi32, #tpu.memory_space<vmem>>
        %dma_wait3A_446 = arith.constant 0 : i32
        %dma_wait3A_447 = tpu.memref_slice %arg4[%dma_wait3A_446] : memref<325632xi32, #tpu.memory_space<hbm>> -> memref<64xi32, #tpu.memory_space<hbm>>
        %dma_wait3A_448 = arith.constant 0 : i32
        %dma_wait3A_449 = tpu.memref_slice %arg9[%dma_wait3A_442, %dma_wait3A_448] : memref<2x64xi32, #tpu.memory_space<vmem>> -> memref<1x64xi32, #tpu.memory_space<vmem>>
        %dma_wait3A_450 = tpu.memref_squeeze %dma_wait3A_449 : memref<1x64xi32, #tpu.memory_space<vmem>> -> memref<64xi32, #tpu.memory_space<vmem>>
        %dma_wait3A_451 = arith.constant 0 : i32
        %dma_wait3A_452 = tpu.memref_slice %arg4[%dma_wait3A_451] : memref<325632xi32, #tpu.memory_space<hbm>> -> memref<64xi32, #tpu.memory_space<hbm>>
        tpu.wait_dma2 semaphore(%arg27 : memref<!tpu.dma_semaphore, #tpu.memory_space<semaphore_mem>>) src(%dma_wait3A_452 : memref<64xi32, #tpu.memory_space<hbm>>) dst(%dma_wait3A_450 : memref<64xi32, #tpu.memory_space<vmem>>)
        %dma_wait3A_453 = arith.constant 1 : i32
        %dma_wait3A_454 = arith.constant 0 : i32
        %dma_wait3A_455 = tpu.memref_slice %arg9[%dma_wait3A_453, %dma_wait3A_454] : memref<2x64xi32, #tpu.memory_space<vmem>> -> memref<1x64xi32, #tpu.memory_space<vmem>>
        %dma_wait3A_456 = tpu.memref_squeeze %dma_wait3A_455 : memref<1x64xi32, #tpu.memory_space<vmem>> -> memref<64xi32, #tpu.memory_space<vmem>>
        %dma_wait3A_457 = arith.constant 0 : i32
        %dma_wait3A_458 = tpu.memref_slice %arg5[%dma_wait3A_457] : memref<325632xi32, #tpu.memory_space<hbm>> -> memref<64xi32, #tpu.memory_space<hbm>>
        %dma_wait3A_459 = arith.constant 0 : i32
        %dma_wait3A_460 = tpu.memref_slice %arg9[%dma_wait3A_453, %dma_wait3A_459] : memref<2x64xi32, #tpu.memory_space<vmem>> -> memref<1x64xi32, #tpu.memory_space<vmem>>
        %dma_wait3A_461 = tpu.memref_squeeze %dma_wait3A_460 : memref<1x64xi32, #tpu.memory_space<vmem>> -> memref<64xi32, #tpu.memory_space<vmem>>
        %dma_wait3A_462 = arith.constant 0 : i32
        %dma_wait3A_463 = tpu.memref_slice %arg5[%dma_wait3A_462] : memref<325632xi32, #tpu.memory_space<hbm>> -> memref<64xi32, #tpu.memory_space<hbm>>
        tpu.wait_dma2 semaphore(%arg27 : memref<!tpu.dma_semaphore, #tpu.memory_space<semaphore_mem>>) src(%dma_wait3A_463 : memref<64xi32, #tpu.memory_space<hbm>>) dst(%dma_wait3A_461 : memref<64xi32, #tpu.memory_space<vmem>>)
        %dma_start3A_464 = arith.constant 0 : i32
        %dma_start3A_465 = arith.constant 0 : i32
        %dma_start3A_466 = arith.constant 0 : i32
        %dma_start3A_467 = tpu.memref_slice %arg15[%dma_start3A_465, %dma_start3A_466] : memref<128x64xi32, #tpu.memory_space<vmem>> -> memref<64x64xi32, #tpu.memory_space<vmem>>
        %dma_start3A_468 = arith.constant 0 : i32
        %dma_start3A_469 = tpu.memref_slice %arg9[%dma_start3A_464, %dma_start3A_468] : memref<2x64xi32, #tpu.memory_space<vmem>> -> memref<1x64xi32, #tpu.memory_space<vmem>>
        %dma_start3A_470 = tpu.memref_squeeze %dma_start3A_469 : memref<1x64xi32, #tpu.memory_space<vmem>> -> memref<64xi32, #tpu.memory_space<vmem>>
        %dma_start3A_471 = arith.constant 0 : i32
        %dma_start3A_472 = arith.constant 0 : i32
        %dma_start3A_473 = tpu.memref_slice %arg2[%dma_start3A_471, %dma_start3A_472] : memref<10016x64xi32, #tpu.memory_space<hbm>> -> memref<10016x64xi32, #tpu.memory_space<hbm>>
        tpu.enqueue_indirect_dma source(%dma_start3A_473 : memref<10016x64xi32, #tpu.memory_space<hbm>>) target(%dma_start3A_467 : memref<64x64xi32, #tpu.memory_space<vmem>>) offsets(%dma_start3A_470 : memref<64xi32, #tpu.memory_space<vmem>>) semaphore(%arg21 : memref<!tpu.dma_semaphore, #tpu.memory_space<semaphore_mem>>)
        %dma_start3A_474 = arith.constant 1 : i32
        %dma_start3A_475 = arith.constant 64 : i32
        %dma_start3A_476 = arith.constant 0 : i32
        %dma_start3A_477 = tpu.memref_slice %arg15[%dma_start3A_475, %dma_start3A_476] : memref<128x64xi32, #tpu.memory_space<vmem>> -> memref<64x64xi32, #tpu.memory_space<vmem>>
        %dma_start3A_478 = arith.constant 0 : i32
        %dma_start3A_479 = tpu.memref_slice %arg9[%dma_start3A_474, %dma_start3A_478] : memref<2x64xi32, #tpu.memory_space<vmem>> -> memref<1x64xi32, #tpu.memory_space<vmem>>
        %dma_start3A_480 = tpu.memref_squeeze %dma_start3A_479 : memref<1x64xi32, #tpu.memory_space<vmem>> -> memref<64xi32, #tpu.memory_space<vmem>>
        %dma_start3A_481 = arith.constant 0 : i32
        %dma_start3A_482 = arith.constant 0 : i32
        %dma_start3A_483 = tpu.memref_slice %arg3[%dma_start3A_481, %dma_start3A_482] : memref<10016x64xi32, #tpu.memory_space<hbm>> -> memref<10016x64xi32, #tpu.memory_space<hbm>>
        tpu.enqueue_indirect_dma source(%dma_start3A_483 : memref<10016x64xi32, #tpu.memory_space<hbm>>) target(%dma_start3A_477 : memref<64x64xi32, #tpu.memory_space<vmem>>) offsets(%dma_start3A_480 : memref<64xi32, #tpu.memory_space<vmem>>) semaphore(%arg21 : memref<!tpu.dma_semaphore, #tpu.memory_space<semaphore_mem>>)
      } else {
      }
      %scan3A_268 = arith.constant 0 : i32
      %scan3A_269 = arith.constant 64 : i32
      %scan3A_270 = arith.addi %scan3A_268, %scan3A_269 : i32
      %scan3A_271 = arith.constant 1 : i32
      scf.for %scan3A_442 = %scan3A_268 to %scan3A_270 step %scan3A_271  : i32 {
        %mul3A_443 = arith.constant 1 : i32
        %mul3A_444 = arith.muli %scan3A_442, %mul3A_443 : i32
        %add3A_445 = arith.constant 0 : i32
        %add3A_446 = arith.addi %add3A_445, %mul3A_444 : i32
        %get3A_447 = arith.index_cast %add3A_446 : i32 to index
        %get3A_448 = arith.constant 0 : index
        %get3A_449 = tpu.vector_load %arg13[%get3A_447, %get3A_448] {strides = array<i32>} : memref<128x64xi32, #tpu.memory_space<vmem>>, vector<16xi32>,
        %bitcast3A = vector.bitcast %get3A_449 : vector<16xi32> to vector<32xbf16>
        %add3A_450 = arith.constant 64 : i32
        %add3A_451 = arith.addi %add3A_450, %add3A_446 : i32
        %get3A_452 = arith.index_cast %add3A_451 : i32 to index
        %get3A_453 = arith.constant 0 : index
        %get3A_454 = tpu.vector_load %arg13[%get3A_452, %get3A_453] {strides = array<i32>} : memref<128x64xi32, #tpu.memory_space<vmem>>, vector<16xi32>,
        %bitcast3A_455 = vector.bitcast %get3A_454 : vector<16xi32> to vector<32xbf16>
        %add3A_456 = arith.addf %bitcast3A, %bitcast3A_455 : vector<32xbf16>
        %max3A = arith.constant 0.000000e+00 : bf16
        %max3A_457 = vector.broadcast %max3A : bf16 to vector<32xbf16>
        %max3A_458 = arith.maximumf %add3A_456, %max3A_457 : vector<32xbf16>
        %unpack3A = tpu.unpack_subelements %max3A_458, 0 {pack_format = #tpu.pack_format<interleaved>} : vector<32xbf16> -> vector<16xf32>
        %unpack3A_459 = tpu.unpack_subelements %max3A_458, 1 {pack_format = #tpu.pack_format<interleaved>} : vector<32xbf16> -> vector<16xf32>
        %swap3A_460 = arith.index_cast %add3A_446 : i32 to index
        %swap3A_461 = arith.constant 0 : index
        %swap3A_462 = tpu.vector_load %arg16[%swap3A_460, %swap3A_461] {strides = array<i32>} : memref<64x128xf32, #tpu.memory_space<vmem>>, vector<16xf32>,
        tpu.vector_store %arg16[%swap3A_460, %swap3A_461], %unpack3A {strides = array<i32>} : memref<64x128xf32, #tpu.memory_space<vmem>>, vector<16xf32>,
        %swap3A_463 = arith.index_cast %add3A_446 : i32 to index
        %swap3A_464 = arith.constant 16 : index
        %swap3A_465 = tpu.vector_load %arg16[%swap3A_463, %swap3A_464] {strides = array<i32>} : memref<64x128xf32, #tpu.memory_space<vmem>>, vector<16xf32>,
        tpu.vector_store %arg16[%swap3A_463, %swap3A_464], %unpack3A_459 {strides = array<i32>} : memref<64x128xf32, #tpu.memory_space<vmem>>, vector<16xf32>,
        %get3A_466 = arith.index_cast %add3A_446 : i32 to index
        %get3A_467 = arith.constant 16 : index
        %get3A_468 = tpu.vector_load %arg13[%get3A_466, %get3A_467] {strides = array<i32>} : memref<128x64xi32, #tpu.memory_space<vmem>>, vector<16xi32>,
        %bitcast3A_469 = vector.bitcast %get3A_468 : vector<16xi32> to vector<32xbf16>
        %add3A_470 = arith.constant 64 : i32
        %add3A_471 = arith.addi %add3A_470, %add3A_446 : i32
        %get3A_472 = arith.index_cast %add3A_471 : i32 to index
        %get3A_473 = arith.constant 16 : index
        %get3A_474 = tpu.vector_load %arg13[%get3A_472, %get3A_473] {strides = array<i32>} : memref<128x64xi32, #tpu.memory_space<vmem>>, vector<16xi32>,
        %bitcast3A_475 = vector.bitcast %get3A_474 : vector<16xi32> to vector<32xbf16>
        %add3A_476 = arith.addf %bitcast3A_469, %bitcast3A_475 : vector<32xbf16>
        %max3A_477 = arith.constant 0.000000e+00 : bf16
        %max3A_478 = vector.broadcast %max3A_477 : bf16 to vector<32xbf16>
        %max3A_479 = arith.maximumf %add3A_476, %max3A_478 : vector<32xbf16>
        %unpack3A_480 = tpu.unpack_subelements %max3A_479, 0 {pack_format = #tpu.pack_format<interleaved>} : vector<32xbf16> -> vector<16xf32>
        %unpack3A_481 = tpu.unpack_subelements %max3A_479, 1 {pack_format = #tpu.pack_format<interleaved>} : vector<32xbf16> -> vector<16xf32>
        %swap3A_482 = arith.index_cast %add3A_446 : i32 to index
        %swap3A_483 = arith.constant 32 : index
        %swap3A_484 = tpu.vector_load %arg16[%swap3A_482, %swap3A_483] {strides = array<i32>} : memref<64x128xf32, #tpu.memory_space<vmem>>, vector<16xf32>,
        tpu.vector_store %arg16[%swap3A_482, %swap3A_483], %unpack3A_480 {strides = array<i32>} : memref<64x128xf32, #tpu.memory_space<vmem>>, vector<16xf32>,
        %swap3A_485 = arith.index_cast %add3A_446 : i32 to index
        %swap3A_486 = arith.constant 48 : index
        %swap3A_487 = tpu.vector_load %arg16[%swap3A_485, %swap3A_486] {strides = array<i32>} : memref<64x128xf32, #tpu.memory_space<vmem>>, vector<16xf32>,
        tpu.vector_store %arg16[%swap3A_485, %swap3A_486], %unpack3A_481 {strides = array<i32>} : memref<64x128xf32, #tpu.memory_space<vmem>>, vector<16xf32>,
        %get3A_488 = arith.index_cast %add3A_446 : i32 to index
        %get3A_489 = arith.constant 32 : index
        %get3A_490 = tpu.vector_load %arg13[%get3A_488, %get3A_489] {strides = array<i32>} : memref<128x64xi32, #tpu.memory_space<vmem>>, vector<16xi32>,
        %bitcast3A_491 = vector.bitcast %get3A_490 : vector<16xi32> to vector<32xbf16>
        %add3A_492 = arith.constant 64 : i32
        %add3A_493 = arith.addi %add3A_492, %add3A_446 : i32
        %get3A_494 = arith.index_cast %add3A_493 : i32 to index
        %get3A_495 = arith.constant 32 : index
        %get3A_496 = tpu.vector_load %arg13[%get3A_494, %get3A_495] {strides = array<i32>} : memref<128x64xi32, #tpu.memory_space<vmem>>, vector<16xi32>,
        %bitcast3A_497 = vector.bitcast %get3A_496 : vector<16xi32> to vector<32xbf16>
        %add3A_498 = arith.addf %bitcast3A_491, %bitcast3A_497 : vector<32xbf16>
        %max3A_499 = arith.constant 0.000000e+00 : bf16
        %max3A_500 = vector.broadcast %max3A_499 : bf16 to vector<32xbf16>
        %max3A_501 = arith.maximumf %add3A_498, %max3A_500 : vector<32xbf16>
        %unpack3A_502 = tpu.unpack_subelements %max3A_501, 0 {pack_format = #tpu.pack_format<interleaved>} : vector<32xbf16> -> vector<16xf32>
        %unpack3A_503 = tpu.unpack_subelements %max3A_501, 1 {pack_format = #tpu.pack_format<interleaved>} : vector<32xbf16> -> vector<16xf32>
        %swap3A_504 = arith.index_cast %add3A_446 : i32 to index
        %swap3A_505 = arith.constant 64 : index
        %swap3A_506 = tpu.vector_load %arg16[%swap3A_504, %swap3A_505] {strides = array<i32>} : memref<64x128xf32, #tpu.memory_space<vmem>>, vector<16xf32>,
        tpu.vector_store %arg16[%swap3A_504, %swap3A_505], %unpack3A_502 {strides = array<i32>} : memref<64x128xf32, #tpu.memory_space<vmem>>, vector<16xf32>,
        %swap3A_507 = arith.index_cast %add3A_446 : i32 to index
        %swap3A_508 = arith.constant 80 : index
        %swap3A_509 = tpu.vector_load %arg16[%swap3A_507, %swap3A_508] {strides = array<i32>} : memref<64x128xf32, #tpu.memory_space<vmem>>, vector<16xf32>,
        tpu.vector_store %arg16[%swap3A_507, %swap3A_508], %unpack3A_503 {strides = array<i32>} : memref<64x128xf32, #tpu.memory_space<vmem>>, vector<16xf32>,
        %get3A_510 = arith.index_cast %add3A_446 : i32 to index
        %get3A_511 = arith.constant 48 : index
        %get3A_512 = tpu.vector_load %arg13[%get3A_510, %get3A_511] {strides = array<i32>} : memref<128x64xi32, #tpu.memory_space<vmem>>, vector<16xi32>,
        %bitcast3A_513 = vector.bitcast %get3A_512 : vector<16xi32> to vector<32xbf16>
        %add3A_514 = arith.constant 64 : i32
        %add3A_515 = arith.addi %add3A_514, %add3A_446 : i32
        %get3A_516 = arith.index_cast %add3A_515 : i32 to index
        %get3A_517 = arith.constant 48 : index
        %get3A_518 = tpu.vector_load %arg13[%get3A_516, %get3A_517] {strides = array<i32>} : memref<128x64xi32, #tpu.memory_space<vmem>>, vector<16xi32>,
        %bitcast3A_519 = vector.bitcast %get3A_518 : vector<16xi32> to vector<32xbf16>
        %add3A_520 = arith.addf %bitcast3A_513, %bitcast3A_519 : vector<32xbf16>
        %max3A_521 = arith.constant 0.000000e+00 : bf16
        %max3A_522 = vector.broadcast %max3A_521 : bf16 to vector<32xbf16>
        %max3A_523 = arith.maximumf %add3A_520, %max3A_522 : vector<32xbf16>
        %unpack3A_524 = tpu.unpack_subelements %max3A_523, 0 {pack_format = #tpu.pack_format<interleaved>} : vector<32xbf16> -> vector<16xf32>
        %unpack3A_525 = tpu.unpack_subelements %max3A_523, 1 {pack_format = #tpu.pack_format<interleaved>} : vector<32xbf16> -> vector<16xf32>
        %swap3A_526 = arith.index_cast %add3A_446 : i32 to index
        %swap3A_527 = arith.constant 96 : index
        %swap3A_528 = tpu.vector_load %arg16[%swap3A_526, %swap3A_527] {strides = array<i32>} : memref<64x128xf32, #tpu.memory_space<vmem>>, vector<16xf32>,
        tpu.vector_store %arg16[%swap3A_526, %swap3A_527], %unpack3A_524 {strides = array<i32>} : memref<64x128xf32, #tpu.memory_space<vmem>>, vector<16xf32>,
        %swap3A_529 = arith.index_cast %add3A_446 : i32 to index
        %swap3A_530 = arith.constant 112 : index
        %swap3A_531 = tpu.vector_load %arg16[%swap3A_529, %swap3A_530] {strides = array<i32>} : memref<64x128xf32, #tpu.memory_space<vmem>>, vector<16xf32>,
        tpu.vector_store %arg16[%swap3A_529, %swap3A_530], %unpack3A_525 {strides = array<i32>} : memref<64x128xf32, #tpu.memory_space<vmem>>, vector<16xf32>,
      }
      %scan3A_272 = arith.constant 64 : i32
      %dma_start3A_273 = arith.constant 0 : i32
      %dma_start3A_274 = arith.constant 0 : i32
      %dma_start3A_275 = tpu.memref_slice %arg10[%dma_start3A_273, %dma_start3A_274] : memref<1x64xi32, #tpu.memory_space<vmem>> -> memref<1x64xi32, #tpu.memory_space<vmem>>
      %dma_start3A_276 = tpu.memref_squeeze %dma_start3A_275 : memref<1x64xi32, #tpu.memory_space<vmem>> -> memref<64xi32, #tpu.memory_space<vmem>>
      %dma_start3A_277 = arith.constant 0 : i32
      %dma_start3A_278 = arith.constant 0 : i32
      %dma_start3A_279 = tpu.memref_slice %arg28[%dma_start3A_277, %dma_start3A_278] : memref<10016x128xf32, #tpu.memory_space<vmem_shared>> -> memref<10016x128xf32, #tpu.memory_space<vmem_shared>>
      tpu.enqueue_indirect_dma source(%arg16 : memref<64x128xf32, #tpu.memory_space<vmem>>) target(%dma_start3A_279 : memref<10016x128xf32, #tpu.memory_space<vmem_shared>>) offsets(%dma_start3A_276 : memref<64xi32, #tpu.memory_space<vmem>>) semaphore(%arg22 : memref<!tpu.dma_semaphore, #tpu.memory_space<semaphore_mem>>) {add = true}
      %add3A_280 = arith.constant 1 : i32
      %add3A_281 = arith.addi %add3A_202, %add3A_280 : i32
      %dma_wait3A_282 = arith.constant 0 : i32
      %dma_wait3A_283 = arith.constant 0 : i32
      %dma_wait3A_284 = arith.constant 0 : i32
      %dma_wait3A_285 = tpu.memref_slice %arg14[%dma_wait3A_283, %dma_wait3A_284] : memref<128x64xi32, #tpu.memory_space<vmem>> -> memref<64x64xi32, #tpu.memory_space<vmem>>
      %dma_wait3A_286 = arith.constant 0 : i32
      %dma_wait3A_287 = tpu.memref_slice %arg8[%dma_wait3A_282, %dma_wait3A_286] : memref<2x64xi32, #tpu.memory_space<vmem>> -> memref<1x64xi32, #tpu.memory_space<vmem>>
      %dma_wait3A_288 = tpu.memref_squeeze %dma_wait3A_287 : memref<1x64xi32, #tpu.memory_space<vmem>> -> memref<64xi32, #tpu.memory_space<vmem>>
      %dma_wait3A_289 = arith.constant 0 : i32
      %dma_wait3A_290 = arith.constant 0 : i32
      %dma_wait3A_291 = tpu.memref_slice %arg2[%dma_wait3A_289, %dma_wait3A_290] : memref<10016x64xi32, #tpu.memory_space<hbm>> -> memref<10016x64xi32, #tpu.memory_space<hbm>>
      tpu.wait_indirect_dma semaphore(%arg20 : memref<!tpu.dma_semaphore, #tpu.memory_space<semaphore_mem>>) src(%dma_wait3A_291 : memref<10016x64xi32, #tpu.memory_space<hbm>>) dst(%dma_wait3A_285 : memref<64x64xi32, #tpu.memory_space<vmem>>)
      %dma_wait3A_292 = arith.constant 1 : i32
      %dma_wait3A_293 = arith.constant 64 : i32
      %dma_wait3A_294 = arith.constant 0 : i32
      %dma_wait3A_295 = tpu.memref_slice %arg14[%dma_wait3A_293, %dma_wait3A_294] : memref<128x64xi32, #tpu.memory_space<vmem>> -> memref<64x64xi32, #tpu.memory_space<vmem>>
      %dma_wait3A_296 = arith.constant 0 : i32
      %dma_wait3A_297 = tpu.memref_slice %arg8[%dma_wait3A_292, %dma_wait3A_296] : memref<2x64xi32, #tpu.memory_space<vmem>> -> memref<1x64xi32, #tpu.memory_space<vmem>>
      %dma_wait3A_298 = tpu.memref_squeeze %dma_wait3A_297 : memref<1x64xi32, #tpu.memory_space<vmem>> -> memref<64xi32, #tpu.memory_space<vmem>>
      %dma_wait3A_299 = arith.constant 0 : i32
      %dma_wait3A_300 = arith.constant 0 : i32
      %dma_wait3A_301 = tpu.memref_slice %arg3[%dma_wait3A_299, %dma_wait3A_300] : memref<10016x64xi32, #tpu.memory_space<hbm>> -> memref<10016x64xi32, #tpu.memory_space<hbm>>
      tpu.wait_indirect_dma semaphore(%arg20 : memref<!tpu.dma_semaphore, #tpu.memory_space<semaphore_mem>>) src(%dma_wait3A_301 : memref<10016x64xi32, #tpu.memory_space<hbm>>) dst(%dma_wait3A_295 : memref<64x64xi32, #tpu.memory_space<vmem>>)
      %ge3A_302 = arith.constant 3 : i32
      %ge3A_303 = arith.cmpi sge, %add3A_281, %ge3A_302 : i32
      %convert_element_type3A_304 = arith.extui %ge3A_303 : i1 to i32
      %cond3A_305 = arith.constant 0 : i32
      %cond3A_306 = arith.cmpi ne, %convert_element_type3A_304, %cond3A_305 : i32
      scf.if %cond3A_306 {
        %dma_wait3A_442 = arith.constant 0 : i32
        %dma_wait3A_443 = arith.constant 0 : i32
        %dma_wait3A_444 = tpu.memref_slice %arg11[%dma_wait3A_442, %dma_wait3A_443] : memref<1x64xi32, #tpu.memory_space<vmem>> -> memref<1x64xi32, #tpu.memory_space<vmem>>
        %dma_wait3A_445 = tpu.memref_squeeze %dma_wait3A_444 : memref<1x64xi32, #tpu.memory_space<vmem>> -> memref<64xi32, #tpu.memory_space<vmem>>
        %dma_wait3A_446 = arith.constant 0 : i32
        %dma_wait3A_447 = arith.constant 0 : i32
        %dma_wait3A_448 = tpu.memref_slice %arg28[%dma_wait3A_446, %dma_wait3A_447] : memref<10016x128xf32, #tpu.memory_space<vmem_shared>> -> memref<10016x128xf32, #tpu.memory_space<vmem_shared>>
        tpu.wait_indirect_dma semaphore(%arg23 : memref<!tpu.dma_semaphore, #tpu.memory_space<semaphore_mem>>) src(%arg17 : memref<64x128xf32, #tpu.memory_space<vmem>>) dst(%dma_wait3A_448 : memref<10016x128xf32, #tpu.memory_space<vmem_shared>>)
      } else {
      }
      %get3A_307 = arith.constant 1 : i32
      %get3A_308 = arith.index_cast %get3A_307 : i32 to index
      %get3A_309 = arith.constant 0 : index
      %get3A_310 = tpu.vector_load %arg8[%get3A_308, %get3A_309] {strides = array<i32>} : memref<2x64xi32, #tpu.memory_space<vmem>>, vector<16xi32>,
      %swap3A_311 = arith.constant 0 : i32
      %swap3A_312 = arith.index_cast %swap3A_311 : i32 to index
      %swap3A_313 = arith.constant 0 : index
      %swap3A_314 = tpu.vector_load %arg11[%swap3A_312, %swap3A_313] {strides = array<i32>} : memref<1x64xi32, #tpu.memory_space<vmem>>, vector<16xi32>,
      tpu.vector_store %arg11[%swap3A_312, %swap3A_313], %get3A_310 {strides = array<i32>} : memref<1x64xi32, #tpu.memory_space<vmem>>, vector<16xi32>,
      %get3A_315 = arith.constant 1 : i32
      %get3A_316 = arith.index_cast %get3A_315 : i32 to index
      %get3A_317 = arith.constant 16 : index
      %get3A_318 = tpu.vector_load %arg8[%get3A_316, %get3A_317] {strides = array<i32>} : memref<2x64xi32, #tpu.memory_space<vmem>>, vector<16xi32>,
      %swap3A_319 = arith.constant 0 : i32
      %swap3A_320 = arith.index_cast %swap3A_319 : i32 to index
      %swap3A_321 = arith.constant 16 : index
      %swap3A_322 = tpu.vector_load %arg11[%swap3A_320, %swap3A_321] {strides = array<i32>} : memref<1x64xi32, #tpu.memory_space<vmem>>, vector<16xi32>,
      tpu.vector_store %arg11[%swap3A_320, %swap3A_321], %get3A_318 {strides = array<i32>} : memref<1x64xi32, #tpu.memory_space<vmem>>, vector<16xi32>,
      %get3A_323 = arith.constant 1 : i32
      %get3A_324 = arith.index_cast %get3A_323 : i32 to index
      %get3A_325 = arith.constant 32 : index
      %get3A_326 = tpu.vector_load %arg8[%get3A_324, %get3A_325] {strides = array<i32>} : memref<2x64xi32, #tpu.memory_space<vmem>>, vector<16xi32>,
      %swap3A_327 = arith.constant 0 : i32
      %swap3A_328 = arith.index_cast %swap3A_327 : i32 to index
      %swap3A_329 = arith.constant 32 : index
      %swap3A_330 = tpu.vector_load %arg11[%swap3A_328, %swap3A_329] {strides = array<i32>} : memref<1x64xi32, #tpu.memory_space<vmem>>, vector<16xi32>,
      tpu.vector_store %arg11[%swap3A_328, %swap3A_329], %get3A_326 {strides = array<i32>} : memref<1x64xi32, #tpu.memory_space<vmem>>, vector<16xi32>,
      %get3A_331 = arith.constant 1 : i32
      %get3A_332 = arith.index_cast %get3A_331 : i32 to index
      %get3A_333 = arith.constant 48 : index
      %get3A_334 = tpu.vector_load %arg8[%get3A_332, %get3A_333] {strides = array<i32>} : memref<2x64xi32, #tpu.memory_space<vmem>>, vector<16xi32>,
      %swap3A_335 = arith.constant 0 : i32
      %swap3A_336 = arith.index_cast %swap3A_335 : i32 to index
      %swap3A_337 = arith.constant 48 : index
      %swap3A_338 = tpu.vector_load %arg11[%swap3A_336, %swap3A_337] {strides = array<i32>} : memref<1x64xi32, #tpu.memory_space<vmem>>, vector<16xi32>,
      tpu.vector_store %arg11[%swap3A_336, %swap3A_337], %get3A_334 {strides = array<i32>} : memref<1x64xi32, #tpu.memory_space<vmem>>, vector<16xi32>,
      %lt3A_339 = arith.constant 156 : i32
      %lt3A_340 = arith.cmpi slt, %add3A_281, %lt3A_339 : i32
      %convert_element_type3A_341 = arith.extui %lt3A_340 : i1 to i32
      %cond3A_342 = arith.constant 0 : i32
      %cond3A_343 = arith.cmpi ne, %convert_element_type3A_341, %cond3A_342 : i32
      scf.if %cond3A_343 {
        %add3A_442 = arith.constant 3 : i32
        %add3A_443 = arith.addi %add3A_281, %add3A_442 : i32
        %add3A_444 = arith.addi %mul3A_2, %add3A_443 : i32
        %mul3A_445 = arith.constant 64 : i32
        %mul3A_446 = arith.muli %add3A_444, %mul3A_445 : i32
        %dma_start3A_447 = arith.constant 0 : i32
        %dma_start3A_448 = arith.constant 0 : i32
        %dma_start3A_449 = tpu.memref_slice %arg8[%dma_start3A_447, %dma_start3A_448] : memref<2x64xi32, #tpu.memory_space<vmem>> -> memref<1x64xi32, #tpu.memory_space<vmem>>
        %dma_start3A_450 = tpu.memref_squeeze %dma_start3A_449 : memref<1x64xi32, #tpu.memory_space<vmem>> -> memref<64xi32, #tpu.memory_space<vmem>>
        %dma_start3A_451 = tpu.memref_slice %arg4[%mul3A_446] : memref<325632xi32, #tpu.memory_space<hbm>> -> memref<64xi32, #tpu.memory_space<hbm>>
        %dma_start3A_452 = arith.constant 0 : i32
        %dma_start3A_453 = tpu.memref_slice %arg8[%dma_start3A_447, %dma_start3A_452] : memref<2x64xi32, #tpu.memory_space<vmem>> -> memref<1x64xi32, #tpu.memory_space<vmem>>
        %dma_start3A_454 = tpu.memref_squeeze %dma_start3A_453 : memref<1x64xi32, #tpu.memory_space<vmem>> -> memref<64xi32, #tpu.memory_space<vmem>>
        %dma_start3A_455 = tpu.memref_slice %arg4[%mul3A_446] : memref<325632xi32, #tpu.memory_space<hbm>> -> memref<64xi32, #tpu.memory_space<hbm>>
        tpu.enqueue_dma source(%dma_start3A_455 : memref<64xi32, #tpu.memory_space<hbm>>) target(%dma_start3A_454 : memref<64xi32, #tpu.memory_space<vmem>>) target_semaphore(%arg26 : memref<!tpu.dma_semaphore, #tpu.memory_space<semaphore_mem>>)
        %dma_start3A_456 = arith.constant 1 : i32
        %dma_start3A_457 = arith.constant 0 : i32
        %dma_start3A_458 = tpu.memref_slice %arg8[%dma_start3A_456, %dma_start3A_457] : memref<2x64xi32, #tpu.memory_space<vmem>> -> memref<1x64xi32, #tpu.memory_space<vmem>>
        %dma_start3A_459 = tpu.memref_squeeze %dma_start3A_458 : memref<1x64xi32, #tpu.memory_space<vmem>> -> memref<64xi32, #tpu.memory_space<vmem>>
        %dma_start3A_460 = tpu.memref_slice %arg5[%mul3A_446] : memref<325632xi32, #tpu.memory_space<hbm>> -> memref<64xi32, #tpu.memory_space<hbm>>
        %dma_start3A_461 = arith.constant 0 : i32
        %dma_start3A_462 = tpu.memref_slice %arg8[%dma_start3A_456, %dma_start3A_461] : memref<2x64xi32, #tpu.memory_space<vmem>> -> memref<1x64xi32, #tpu.memory_space<vmem>>
        %dma_start3A_463 = tpu.memref_squeeze %dma_start3A_462 : memref<1x64xi32, #tpu.memory_space<vmem>> -> memref<64xi32, #tpu.memory_space<vmem>>
        %dma_start3A_464 = tpu.memref_slice %arg5[%mul3A_446] : memref<325632xi32, #tpu.memory_space<hbm>> -> memref<64xi32, #tpu.memory_space<hbm>>
        tpu.enqueue_dma source(%dma_start3A_464 : memref<64xi32, #tpu.memory_space<hbm>>) target(%dma_start3A_463 : memref<64xi32, #tpu.memory_space<vmem>>) target_semaphore(%arg26 : memref<!tpu.dma_semaphore, #tpu.memory_space<semaphore_mem>>)
      } else {
      }
      %lt3A_344 = arith.constant 157 : i32
      %lt3A_345 = arith.cmpi slt, %add3A_281, %lt3A_344 : i32
      %convert_element_type3A_346 = arith.extui %lt3A_345 : i1 to i32
      %cond3A_347 = arith.constant 0 : i32
      %cond3A_348 = arith.cmpi ne, %convert_element_type3A_346, %cond3A_347 : i32
      scf.if %cond3A_348 {
        %dma_wait3A_442 = arith.constant 0 : i32
        %dma_wait3A_443 = arith.constant 0 : i32
        %dma_wait3A_444 = tpu.memref_slice %arg7[%dma_wait3A_442, %dma_wait3A_443] : memref<2x64xi32, #tpu.memory_space<vmem>> -> memref<1x64xi32, #tpu.memory_space<vmem>>
        %dma_wait3A_445 = tpu.memref_squeeze %dma_wait3A_444 : memref<1x64xi32, #tpu.memory_space<vmem>> -> memref<64xi32, #tpu.memory_space<vmem>>
        %dma_wait3A_446 = arith.constant 0 : i32
        %dma_wait3A_447 = tpu.memref_slice %arg4[%dma_wait3A_446] : memref<325632xi32, #tpu.memory_space<hbm>> -> memref<64xi32, #tpu.memory_space<hbm>>
        %dma_wait3A_448 = arith.constant 0 : i32
        %dma_wait3A_449 = tpu.memref_slice %arg7[%dma_wait3A_442, %dma_wait3A_448] : memref<2x64xi32, #tpu.memory_space<vmem>> -> memref<1x64xi32, #tpu.memory_space<vmem>>
        %dma_wait3A_450 = tpu.memref_squeeze %dma_wait3A_449 : memref<1x64xi32, #tpu.memory_space<vmem>> -> memref<64xi32, #tpu.memory_space<vmem>>
        %dma_wait3A_451 = arith.constant 0 : i32
        %dma_wait3A_452 = tpu.memref_slice %arg4[%dma_wait3A_451] : memref<325632xi32, #tpu.memory_space<hbm>> -> memref<64xi32, #tpu.memory_space<hbm>>
        tpu.wait_dma2 semaphore(%arg25 : memref<!tpu.dma_semaphore, #tpu.memory_space<semaphore_mem>>) src(%dma_wait3A_452 : memref<64xi32, #tpu.memory_space<hbm>>) dst(%dma_wait3A_450 : memref<64xi32, #tpu.memory_space<vmem>>)
        %dma_wait3A_453 = arith.constant 1 : i32
        %dma_wait3A_454 = arith.constant 0 : i32
        %dma_wait3A_455 = tpu.memref_slice %arg7[%dma_wait3A_453, %dma_wait3A_454] : memref<2x64xi32, #tpu.memory_space<vmem>> -> memref<1x64xi32, #tpu.memory_space<vmem>>
        %dma_wait3A_456 = tpu.memref_squeeze %dma_wait3A_455 : memref<1x64xi32, #tpu.memory_space<vmem>> -> memref<64xi32, #tpu.memory_space<vmem>>
        %dma_wait3A_457 = arith.constant 0 : i32
        %dma_wait3A_458 = tpu.memref_slice %arg5[%dma_wait3A_457] : memref<325632xi32, #tpu.memory_space<hbm>> -> memref<64xi32, #tpu.memory_space<hbm>>
        %dma_wait3A_459 = arith.constant 0 : i32
        %dma_wait3A_460 = tpu.memref_slice %arg7[%dma_wait3A_453, %dma_wait3A_459] : memref<2x64xi32, #tpu.memory_space<vmem>> -> memref<1x64xi32, #tpu.memory_space<vmem>>
        %dma_wait3A_461 = tpu.memref_squeeze %dma_wait3A_460 : memref<1x64xi32, #tpu.memory_space<vmem>> -> memref<64xi32, #tpu.memory_space<vmem>>
        %dma_wait3A_462 = arith.constant 0 : i32
        %dma_wait3A_463 = tpu.memref_slice %arg5[%dma_wait3A_462] : memref<325632xi32, #tpu.memory_space<hbm>> -> memref<64xi32, #tpu.memory_space<hbm>>
        tpu.wait_dma2 semaphore(%arg25 : memref<!tpu.dma_semaphore, #tpu.memory_space<semaphore_mem>>) src(%dma_wait3A_463 : memref<64xi32, #tpu.memory_space<hbm>>) dst(%dma_wait3A_461 : memref<64xi32, #tpu.memory_space<vmem>>)
        %dma_start3A_464 = arith.constant 0 : i32
        %dma_start3A_465 = arith.constant 0 : i32
        %dma_start3A_466 = arith.constant 0 : i32
        %dma_start3A_467 = tpu.memref_slice %arg13[%dma_start3A_465, %dma_start3A_466] : memref<128x64xi32, #tpu.memory_space<vmem>> -> memref<64x64xi32, #tpu.memory_space<vmem>>
        %dma_start3A_468 = arith.constant 0 : i32
        %dma_start3A_469 = tpu.memref_slice %arg7[%dma_start3A_464, %dma_start3A_468] : memref<2x64xi32, #tpu.memory_space<vmem>> -> memref<1x64xi32, #tpu.memory_space<vmem>>
        %dma_start3A_470 = tpu.memref_squeeze %dma_start3A_469 : memref<1x64xi32, #tpu.memory_space<vmem>> -> memref<64xi32, #tpu.memory_space<vmem>>
        %dma_start3A_471 = arith.constant 0 : i32
        %dma_start3A_472 = arith.constant 0 : i32
        %dma_start3A_473 = tpu.memref_slice %arg2[%dma_start3A_471, %dma_start3A_472] : memref<10016x64xi32, #tpu.memory_space<hbm>> -> memref<10016x64xi32, #tpu.memory_space<hbm>>
        tpu.enqueue_indirect_dma source(%dma_start3A_473 : memref<10016x64xi32, #tpu.memory_space<hbm>>) target(%dma_start3A_467 : memref<64x64xi32, #tpu.memory_space<vmem>>) offsets(%dma_start3A_470 : memref<64xi32, #tpu.memory_space<vmem>>) semaphore(%arg19 : memref<!tpu.dma_semaphore, #tpu.memory_space<semaphore_mem>>)
        %dma_start3A_474 = arith.constant 1 : i32
        %dma_start3A_475 = arith.constant 64 : i32
        %dma_start3A_476 = arith.constant 0 : i32
        %dma_start3A_477 = tpu.memref_slice %arg13[%dma_start3A_475, %dma_start3A_476] : memref<128x64xi32, #tpu.memory_space<vmem>> -> memref<64x64xi32, #tpu.memory_space<vmem>>
        %dma_start3A_478 = arith.constant 0 : i32
        %dma_start3A_479 = tpu.memref_slice %arg7[%dma_start3A_474, %dma_start3A_478] : memref<2x64xi32, #tpu.memory_space<vmem>> -> memref<1x64xi32, #tpu.memory_space<vmem>>
        %dma_start3A_480 = tpu.memref_squeeze %dma_start3A_479 : memref<1x64xi32, #tpu.memory_space<vmem>> -> memref<64xi32, #tpu.memory_space<vmem>>
        %dma_start3A_481 = arith.constant 0 : i32
        %dma_start3A_482 = arith.constant 0 : i32
        %dma_start3A_483 = tpu.memref_slice %arg3[%dma_start3A_481, %dma_start3A_482] : memref<10016x64xi32, #tpu.memory_space<hbm>> -> memref<10016x64xi32, #tpu.memory_space<hbm>>
        tpu.enqueue_indirect_dma source(%dma_start3A_483 : memref<10016x64xi32, #tpu.memory_space<hbm>>) target(%dma_start3A_477 : memref<64x64xi32, #tpu.memory_space<vmem>>) offsets(%dma_start3A_480 : memref<64xi32, #tpu.memory_space<vmem>>) semaphore(%arg19 : memref<!tpu.dma_semaphore, #tpu.memory_space<semaphore_mem>>)
      } else {
      }
      %scan3A_349 = arith.constant 0 : i32
      %scan3A_350 = arith.constant 64 : i32
      %scan3A_351 = arith.addi %scan3A_349, %scan3A_350 : i32
      %scan3A_352 = arith.constant 1 : i32
      scf.for %scan3A_442 = %scan3A_349 to %scan3A_351 step %scan3A_352  : i32 {
        %mul3A_443 = arith.constant 1 : i32
        %mul3A_444 = arith.muli %scan3A_442, %mul3A_443 : i32
        %add3A_445 = arith.constant 0 : i32
        %add3A_446 = arith.addi %add3A_445, %mul3A_444 : i32
        %get3A_447 = arith.index_cast %add3A_446 : i32 to index
        %get3A_448 = arith.constant 0 : index
        %get3A_449 = tpu.vector_load %arg14[%get3A_447, %get3A_448] {strides = array<i32>} : memref<128x64xi32, #tpu.memory_space<vmem>>, vector<16xi32>,
        %bitcast3A = vector.bitcast %get3A_449 : vector<16xi32> to vector<32xbf16>
        %add3A_450 = arith.constant 64 : i32
        %add3A_451 = arith.addi %add3A_450, %add3A_446 : i32
        %get3A_452 = arith.index_cast %add3A_451 : i32 to index
        %get3A_453 = arith.constant 0 : index
        %get3A_454 = tpu.vector_load %arg14[%get3A_452, %get3A_453] {strides = array<i32>} : memref<128x64xi32, #tpu.memory_space<vmem>>, vector<16xi32>,
        %bitcast3A_455 = vector.bitcast %get3A_454 : vector<16xi32> to vector<32xbf16>
        %add3A_456 = arith.addf %bitcast3A, %bitcast3A_455 : vector<32xbf16>
        %max3A = arith.constant 0.000000e+00 : bf16
        %max3A_457 = vector.broadcast %max3A : bf16 to vector<32xbf16>
        %max3A_458 = arith.maximumf %add3A_456, %max3A_457 : vector<32xbf16>
        %unpack3A = tpu.unpack_subelements %max3A_458, 0 {pack_format = #tpu.pack_format<interleaved>} : vector<32xbf16> -> vector<16xf32>
        %unpack3A_459 = tpu.unpack_subelements %max3A_458, 1 {pack_format = #tpu.pack_format<interleaved>} : vector<32xbf16> -> vector<16xf32>
        %swap3A_460 = arith.index_cast %add3A_446 : i32 to index
        %swap3A_461 = arith.constant 0 : index
        %swap3A_462 = tpu.vector_load %arg17[%swap3A_460, %swap3A_461] {strides = array<i32>} : memref<64x128xf32, #tpu.memory_space<vmem>>, vector<16xf32>,
        tpu.vector_store %arg17[%swap3A_460, %swap3A_461], %unpack3A {strides = array<i32>} : memref<64x128xf32, #tpu.memory_space<vmem>>, vector<16xf32>,
        %swap3A_463 = arith.index_cast %add3A_446 : i32 to index
        %swap3A_464 = arith.constant 16 : index
        %swap3A_465 = tpu.vector_load %arg17[%swap3A_463, %swap3A_464] {strides = array<i32>} : memref<64x128xf32, #tpu.memory_space<vmem>>, vector<16xf32>,
        tpu.vector_store %arg17[%swap3A_463, %swap3A_464], %unpack3A_459 {strides = array<i32>} : memref<64x128xf32, #tpu.memory_space<vmem>>, vector<16xf32>,
        %get3A_466 = arith.index_cast %add3A_446 : i32 to index
        %get3A_467 = arith.constant 16 : index
        %get3A_468 = tpu.vector_load %arg14[%get3A_466, %get3A_467] {strides = array<i32>} : memref<128x64xi32, #tpu.memory_space<vmem>>, vector<16xi32>,
        %bitcast3A_469 = vector.bitcast %get3A_468 : vector<16xi32> to vector<32xbf16>
        %add3A_470 = arith.constant 64 : i32
        %add3A_471 = arith.addi %add3A_470, %add3A_446 : i32
        %get3A_472 = arith.index_cast %add3A_471 : i32 to index
        %get3A_473 = arith.constant 16 : index
        %get3A_474 = tpu.vector_load %arg14[%get3A_472, %get3A_473] {strides = array<i32>} : memref<128x64xi32, #tpu.memory_space<vmem>>, vector<16xi32>,
        %bitcast3A_475 = vector.bitcast %get3A_474 : vector<16xi32> to vector<32xbf16>
        %add3A_476 = arith.addf %bitcast3A_469, %bitcast3A_475 : vector<32xbf16>
        %max3A_477 = arith.constant 0.000000e+00 : bf16
        %max3A_478 = vector.broadcast %max3A_477 : bf16 to vector<32xbf16>
        %max3A_479 = arith.maximumf %add3A_476, %max3A_478 : vector<32xbf16>
        %unpack3A_480 = tpu.unpack_subelements %max3A_479, 0 {pack_format = #tpu.pack_format<interleaved>} : vector<32xbf16> -> vector<16xf32>
        %unpack3A_481 = tpu.unpack_subelements %max3A_479, 1 {pack_format = #tpu.pack_format<interleaved>} : vector<32xbf16> -> vector<16xf32>
        %swap3A_482 = arith.index_cast %add3A_446 : i32 to index
        %swap3A_483 = arith.constant 32 : index
        %swap3A_484 = tpu.vector_load %arg17[%swap3A_482, %swap3A_483] {strides = array<i32>} : memref<64x128xf32, #tpu.memory_space<vmem>>, vector<16xf32>,
        tpu.vector_store %arg17[%swap3A_482, %swap3A_483], %unpack3A_480 {strides = array<i32>} : memref<64x128xf32, #tpu.memory_space<vmem>>, vector<16xf32>,
        %swap3A_485 = arith.index_cast %add3A_446 : i32 to index
        %swap3A_486 = arith.constant 48 : index
        %swap3A_487 = tpu.vector_load %arg17[%swap3A_485, %swap3A_486] {strides = array<i32>} : memref<64x128xf32, #tpu.memory_space<vmem>>, vector<16xf32>,
        tpu.vector_store %arg17[%swap3A_485, %swap3A_486], %unpack3A_481 {strides = array<i32>} : memref<64x128xf32, #tpu.memory_space<vmem>>, vector<16xf32>,
        %get3A_488 = arith.index_cast %add3A_446 : i32 to index
        %get3A_489 = arith.constant 32 : index
        %get3A_490 = tpu.vector_load %arg14[%get3A_488, %get3A_489] {strides = array<i32>} : memref<128x64xi32, #tpu.memory_space<vmem>>, vector<16xi32>,
        %bitcast3A_491 = vector.bitcast %get3A_490 : vector<16xi32> to vector<32xbf16>
        %add3A_492 = arith.constant 64 : i32
        %add3A_493 = arith.addi %add3A_492, %add3A_446 : i32
        %get3A_494 = arith.index_cast %add3A_493 : i32 to index
        %get3A_495 = arith.constant 32 : index
        %get3A_496 = tpu.vector_load %arg14[%get3A_494, %get3A_495] {strides = array<i32>} : memref<128x64xi32, #tpu.memory_space<vmem>>, vector<16xi32>,
        %bitcast3A_497 = vector.bitcast %get3A_496 : vector<16xi32> to vector<32xbf16>
        %add3A_498 = arith.addf %bitcast3A_491, %bitcast3A_497 : vector<32xbf16>
        %max3A_499 = arith.constant 0.000000e+00 : bf16
        %max3A_500 = vector.broadcast %max3A_499 : bf16 to vector<32xbf16>
        %max3A_501 = arith.maximumf %add3A_498, %max3A_500 : vector<32xbf16>
        %unpack3A_502 = tpu.unpack_subelements %max3A_501, 0 {pack_format = #tpu.pack_format<interleaved>} : vector<32xbf16> -> vector<16xf32>
        %unpack3A_503 = tpu.unpack_subelements %max3A_501, 1 {pack_format = #tpu.pack_format<interleaved>} : vector<32xbf16> -> vector<16xf32>
        %swap3A_504 = arith.index_cast %add3A_446 : i32 to index
        %swap3A_505 = arith.constant 64 : index
        %swap3A_506 = tpu.vector_load %arg17[%swap3A_504, %swap3A_505] {strides = array<i32>} : memref<64x128xf32, #tpu.memory_space<vmem>>, vector<16xf32>,
        tpu.vector_store %arg17[%swap3A_504, %swap3A_505], %unpack3A_502 {strides = array<i32>} : memref<64x128xf32, #tpu.memory_space<vmem>>, vector<16xf32>,
        %swap3A_507 = arith.index_cast %add3A_446 : i32 to index
        %swap3A_508 = arith.constant 80 : index
        %swap3A_509 = tpu.vector_load %arg17[%swap3A_507, %swap3A_508] {strides = array<i32>} : memref<64x128xf32, #tpu.memory_space<vmem>>, vector<16xf32>,
        tpu.vector_store %arg17[%swap3A_507, %swap3A_508], %unpack3A_503 {strides = array<i32>} : memref<64x128xf32, #tpu.memory_space<vmem>>, vector<16xf32>,
        %get3A_510 = arith.index_cast %add3A_446 : i32 to index
        %get3A_511 = arith.constant 48 : index
        %get3A_512 = tpu.vector_load %arg14[%get3A_510, %get3A_511] {strides = array<i32>} : memref<128x64xi32, #tpu.memory_space<vmem>>, vector<16xi32>,
        %bitcast3A_513 = vector.bitcast %get3A_512 : vector<16xi32> to vector<32xbf16>
        %add3A_514 = arith.constant 64 : i32
        %add3A_515 = arith.addi %add3A_514, %add3A_446 : i32
        %get3A_516 = arith.index_cast %add3A_515 : i32 to index
        %get3A_517 = arith.constant 48 : index
        %get3A_518 = tpu.vector_load %arg14[%get3A_516, %get3A_517] {strides = array<i32>} : memref<128x64xi32, #tpu.memory_space<vmem>>, vector<16xi32>,
        %bitcast3A_519 = vector.bitcast %get3A_518 : vector<16xi32> to vector<32xbf16>
        %add3A_520 = arith.addf %bitcast3A_513, %bitcast3A_519 : vector<32xbf16>
        %max3A_521 = arith.constant 0.000000e+00 : bf16
        %max3A_522 = vector.broadcast %max3A_521 : bf16 to vector<32xbf16>
        %max3A_523 = arith.maximumf %add3A_520, %max3A_522 : vector<32xbf16>
        %unpack3A_524 = tpu.unpack_subelements %max3A_523, 0 {pack_format = #tpu.pack_format<interleaved>} : vector<32xbf16> -> vector<16xf32>
        %unpack3A_525 = tpu.unpack_subelements %max3A_523, 1 {pack_format = #tpu.pack_format<interleaved>} : vector<32xbf16> -> vector<16xf32>
        %swap3A_526 = arith.index_cast %add3A_446 : i32 to index
        %swap3A_527 = arith.constant 96 : index
        %swap3A_528 = tpu.vector_load %arg17[%swap3A_526, %swap3A_527] {strides = array<i32>} : memref<64x128xf32, #tpu.memory_space<vmem>>, vector<16xf32>,
        tpu.vector_store %arg17[%swap3A_526, %swap3A_527], %unpack3A_524 {strides = array<i32>} : memref<64x128xf32, #tpu.memory_space<vmem>>, vector<16xf32>,
        %swap3A_529 = arith.index_cast %add3A_446 : i32 to index
        %swap3A_530 = arith.constant 112 : index
        %swap3A_531 = tpu.vector_load %arg17[%swap3A_529, %swap3A_530] {strides = array<i32>} : memref<64x128xf32, #tpu.memory_space<vmem>>, vector<16xf32>,
        tpu.vector_store %arg17[%swap3A_529, %swap3A_530], %unpack3A_525 {strides = array<i32>} : memref<64x128xf32, #tpu.memory_space<vmem>>, vector<16xf32>,
      }
      %scan3A_353 = arith.constant 64 : i32
      %dma_start3A_354 = arith.constant 0 : i32
      %dma_start3A_355 = arith.constant 0 : i32
      %dma_start3A_356 = tpu.memref_slice %arg11[%dma_start3A_354, %dma_start3A_355] : memref<1x64xi32, #tpu.memory_space<vmem>> -> memref<1x64xi32, #tpu.memory_space<vmem>>
      %dma_start3A_357 = tpu.memref_squeeze %dma_start3A_356 : memref<1x64xi32, #tpu.memory_space<vmem>> -> memref<64xi32, #tpu.memory_space<vmem>>
      %dma_start3A_358 = arith.constant 0 : i32
      %dma_start3A_359 = arith.constant 0 : i32
      %dma_start3A_360 = tpu.memref_slice %arg28[%dma_start3A_358, %dma_start3A_359] : memref<10016x128xf32, #tpu.memory_space<vmem_shared>> -> memref<10016x128xf32, #tpu.memory_space<vmem_shared>>
      tpu.enqueue_indirect_dma source(%arg17 : memref<64x128xf32, #tpu.memory_space<vmem>>) target(%dma_start3A_360 : memref<10016x128xf32, #tpu.memory_space<vmem_shared>>) offsets(%dma_start3A_357 : memref<64xi32, #tpu.memory_space<vmem>>) semaphore(%arg23 : memref<!tpu.dma_semaphore, #tpu.memory_space<semaphore_mem>>) {add = true}
      %add3A_361 = arith.constant 2 : i32
      %add3A_362 = arith.addi %add3A_202, %add3A_361 : i32
      %dma_wait3A_363 = arith.constant 0 : i32
      %dma_wait3A_364 = arith.constant 0 : i32
      %dma_wait3A_365 = arith.constant 0 : i32
      %dma_wait3A_366 = tpu.memref_slice %arg15[%dma_wait3A_364, %dma_wait3A_365] : memref<128x64xi32, #tpu.memory_space<vmem>> -> memref<64x64xi32, #tpu.memory_space<vmem>>
      %dma_wait3A_367 = arith.constant 0 : i32
      %dma_wait3A_368 = tpu.memref_slice %arg9[%dma_wait3A_363, %dma_wait3A_367] : memref<2x64xi32, #tpu.memory_space<vmem>> -> memref<1x64xi32, #tpu.memory_space<vmem>>
      %dma_wait3A_369 = tpu.memref_squeeze %dma_wait3A_368 : memref<1x64xi32, #tpu.memory_space<vmem>> -> memref<64xi32, #tpu.memory_space<vmem>>
      %dma_wait3A_370 = arith.constant 0 : i32
      %dma_wait3A_371 = arith.constant 0 : i32
      %dma_wait3A_372 = tpu.memref_slice %arg2[%dma_wait3A_370, %dma_wait3A_371] : memref<10016x64xi32, #tpu.memory_space<hbm>> -> memref<10016x64xi32, #tpu.memory_space<hbm>>
      tpu.wait_indirect_dma semaphore(%arg21 : memref<!tpu.dma_semaphore, #tpu.memory_space<semaphore_mem>>) src(%dma_wait3A_372 : memref<10016x64xi32, #tpu.memory_space<hbm>>) dst(%dma_wait3A_366 : memref<64x64xi32, #tpu.memory_space<vmem>>)
      %dma_wait3A_373 = arith.constant 1 : i32
      %dma_wait3A_374 = arith.constant 64 : i32
      %dma_wait3A_375 = arith.constant 0 : i32
      %dma_wait3A_376 = tpu.memref_slice %arg15[%dma_wait3A_374, %dma_wait3A_375] : memref<128x64xi32, #tpu.memory_space<vmem>> -> memref<64x64xi32, #tpu.memory_space<vmem>>
      %dma_wait3A_377 = arith.constant 0 : i32
      %dma_wait3A_378 = tpu.memref_slice %arg9[%dma_wait3A_373, %dma_wait3A_377] : memref<2x64xi32, #tpu.memory_space<vmem>> -> memref<1x64xi32, #tpu.memory_space<vmem>>
      %dma_wait3A_379 = tpu.memref_squeeze %dma_wait3A_378 : memref<1x64xi32, #tpu.memory_space<vmem>> -> memref<64xi32, #tpu.memory_space<vmem>>
      %dma_wait3A_380 = arith.constant 0 : i32
      %dma_wait3A_381 = arith.constant 0 : i32
      %dma_wait3A_382 = tpu.memref_slice %arg3[%dma_wait3A_380, %dma_wait3A_381] : memref<10016x64xi32, #tpu.memory_space<hbm>> -> memref<10016x64xi32, #tpu.memory_space<hbm>>
      tpu.wait_indirect_dma semaphore(%arg21 : memref<!tpu.dma_semaphore, #tpu.memory_space<semaphore_mem>>) src(%dma_wait3A_382 : memref<10016x64xi32, #tpu.memory_space<hbm>>) dst(%dma_wait3A_376 : memref<64x64xi32, #tpu.memory_space<vmem>>)
      %ge3A_383 = arith.constant 3 : i32
      %ge3A_384 = arith.cmpi sge, %add3A_362, %ge3A_383 : i32
      %convert_element_type3A_385 = arith.extui %ge3A_384 : i1 to i32
      %cond3A_386 = arith.constant 0 : i32
      %cond3A_387 = arith.cmpi ne, %convert_element_type3A_385, %cond3A_386 : i32
      scf.if %cond3A_387 {
        %dma_wait3A_442 = arith.constant 0 : i32
        %dma_wait3A_443 = arith.constant 0 : i32
        %dma_wait3A_444 = tpu.memref_slice %arg12[%dma_wait3A_442, %dma_wait3A_443] : memref<1x64xi32, #tpu.memory_space<vmem>> -> memref<1x64xi32, #tpu.memory_space<vmem>>
        %dma_wait3A_445 = tpu.memref_squeeze %dma_wait3A_444 : memref<1x64xi32, #tpu.memory_space<vmem>> -> memref<64xi32, #tpu.memory_space<vmem>>
        %dma_wait3A_446 = arith.constant 0 : i32
        %dma_wait3A_447 = arith.constant 0 : i32
        %dma_wait3A_448 = tpu.memref_slice %arg28[%dma_wait3A_446, %dma_wait3A_447] : memref<10016x128xf32, #tpu.memory_space<vmem_shared>> -> memref<10016x128xf32, #tpu.memory_space<vmem_shared>>
        tpu.wait_indirect_dma semaphore(%arg24 : memref<!tpu.dma_semaphore, #tpu.memory_space<semaphore_mem>>) src(%arg18 : memref<64x128xf32, #tpu.memory_space<vmem>>) dst(%dma_wait3A_448 : memref<10016x128xf32, #tpu.memory_space<vmem_shared>>)
      } else {
      }
      %get3A_388 = arith.constant 1 : i32
      %get3A_389 = arith.index_cast %get3A_388 : i32 to index
      %get3A_390 = arith.constant 0 : index
      %get3A_391 = tpu.vector_load %arg9[%get3A_389, %get3A_390] {strides = array<i32>} : memref<2x64xi32, #tpu.memory_space<vmem>>, vector<16xi32>,
      %swap3A_392 = arith.constant 0 : i32
      %swap3A_393 = arith.index_cast %swap3A_392 : i32 to index
      %swap3A_394 = arith.constant 0 : index
      %swap3A_395 = tpu.vector_load %arg12[%swap3A_393, %swap3A_394] {strides = array<i32>} : memref<1x64xi32, #tpu.memory_space<vmem>>, vector<16xi32>,
      tpu.vector_store %arg12[%swap3A_393, %swap3A_394], %get3A_391 {strides = array<i32>} : memref<1x64xi32, #tpu.memory_space<vmem>>, vector<16xi32>,
      %get3A_396 = arith.constant 1 : i32
      %get3A_397 = arith.index_cast %get3A_396 : i32 to index
      %get3A_398 = arith.constant 16 : index
      %get3A_399 = tpu.vector_load %arg9[%get3A_397, %get3A_398] {strides = array<i32>} : memref<2x64xi32, #tpu.memory_space<vmem>>, vector<16xi32>,
      %swap3A_400 = arith.constant 0 : i32
      %swap3A_401 = arith.index_cast %swap3A_400 : i32 to index
      %swap3A_402 = arith.constant 16 : index
      %swap3A_403 = tpu.vector_load %arg12[%swap3A_401, %swap3A_402] {strides = array<i32>} : memref<1x64xi32, #tpu.memory_space<vmem>>, vector<16xi32>,
      tpu.vector_store %arg12[%swap3A_401, %swap3A_402], %get3A_399 {strides = array<i32>} : memref<1x64xi32, #tpu.memory_space<vmem>>, vector<16xi32>,
      %get3A_404 = arith.constant 1 : i32
      %get3A_405 = arith.index_cast %get3A_404 : i32 to index
      %get3A_406 = arith.constant 32 : index
      %get3A_407 = tpu.vector_load %arg9[%get3A_405, %get3A_406] {strides = array<i32>} : memref<2x64xi32, #tpu.memory_space<vmem>>, vector<16xi32>,
      %swap3A_408 = arith.constant 0 : i32
      %swap3A_409 = arith.index_cast %swap3A_408 : i32 to index
      %swap3A_410 = arith.constant 32 : index
      %swap3A_411 = tpu.vector_load %arg12[%swap3A_409, %swap3A_410] {strides = array<i32>} : memref<1x64xi32, #tpu.memory_space<vmem>>, vector<16xi32>,
      tpu.vector_store %arg12[%swap3A_409, %swap3A_410], %get3A_407 {strides = array<i32>} : memref<1x64xi32, #tpu.memory_space<vmem>>, vector<16xi32>,
      %get3A_412 = arith.constant 1 : i32
      %get3A_413 = arith.index_cast %get3A_412 : i32 to index
      %get3A_414 = arith.constant 48 : index
      %get3A_415 = tpu.vector_load %arg9[%get3A_413, %get3A_414] {strides = array<i32>} : memref<2x64xi32, #tpu.memory_space<vmem>>, vector<16xi32>,
      %swap3A_416 = arith.constant 0 : i32
      %swap3A_417 = arith.index_cast %swap3A_416 : i32 to index
      %swap3A_418 = arith.constant 48 : index
      %swap3A_419 = tpu.vector_load %arg12[%swap3A_417, %swap3A_418] {strides = array<i32>} : memref<1x64xi32, #tpu.memory_space<vmem>>, vector<16xi32>,
      tpu.vector_store %arg12[%swap3A_417, %swap3A_418], %get3A_415 {strides = array<i32>} : memref<1x64xi32, #tpu.memory_space<vmem>>, vector<16xi32>,
      %lt3A_420 = arith.constant 156 : i32
      %lt3A_421 = arith.cmpi slt, %add3A_362, %lt3A_420 : i32
      %convert_element_type3A_422 = arith.extui %lt3A_421 : i1 to i32
      %cond3A_423 = arith.constant 0 : i32
      %cond3A_424 = arith.cmpi ne, %convert_element_type3A_422, %cond3A_423 : i32
      scf.if %cond3A_424 {
        %add3A_442 = arith.constant 3 : i32
        %add3A_443 = arith.addi %add3A_362, %add3A_442 : i32
        %add3A_444 = arith.addi %mul3A_2, %add3A_443 : i32
        %mul3A_445 = arith.constant 64 : i32
        %mul3A_446 = arith.muli %add3A_444, %mul3A_445 : i32
        %dma_start3A_447 = arith.constant 0 : i32
        %dma_start3A_448 = arith.constant 0 : i32
        %dma_start3A_449 = tpu.memref_slice %arg9[%dma_start3A_447, %dma_start3A_448] : memref<2x64xi32, #tpu.memory_space<vmem>> -> memref<1x64xi32, #tpu.memory_space<vmem>>
        %dma_start3A_450 = tpu.memref_squeeze %dma_start3A_449 : memref<1x64xi32, #tpu.memory_space<vmem>> -> memref<64xi32, #tpu.memory_space<vmem>>
        %dma_start3A_451 = tpu.memref_slice %arg4[%mul3A_446] : memref<325632xi32, #tpu.memory_space<hbm>> -> memref<64xi32, #tpu.memory_space<hbm>>
        %dma_start3A_452 = arith.constant 0 : i32
        %dma_start3A_453 = tpu.memref_slice %arg9[%dma_start3A_447, %dma_start3A_452] : memref<2x64xi32, #tpu.memory_space<vmem>> -> memref<1x64xi32, #tpu.memory_space<vmem>>
        %dma_start3A_454 = tpu.memref_squeeze %dma_start3A_453 : memref<1x64xi32, #tpu.memory_space<vmem>> -> memref<64xi32, #tpu.memory_space<vmem>>
        %dma_start3A_455 = tpu.memref_slice %arg4[%mul3A_446] : memref<325632xi32, #tpu.memory_space<hbm>> -> memref<64xi32, #tpu.memory_space<hbm>>
        tpu.enqueue_dma source(%dma_start3A_455 : memref<64xi32, #tpu.memory_space<hbm>>) target(%dma_start3A_454 : memref<64xi32, #tpu.memory_space<vmem>>) target_semaphore(%arg27 : memref<!tpu.dma_semaphore, #tpu.memory_space<semaphore_mem>>)
        %dma_start3A_456 = arith.constant 1 : i32
        %dma_start3A_457 = arith.constant 0 : i32
        %dma_start3A_458 = tpu.memref_slice %arg9[%dma_start3A_456, %dma_start3A_457] : memref<2x64xi32, #tpu.memory_space<vmem>> -> memref<1x64xi32, #tpu.memory_space<vmem>>
        %dma_start3A_459 = tpu.memref_squeeze %dma_start3A_458 : memref<1x64xi32, #tpu.memory_space<vmem>> -> memref<64xi32, #tpu.memory_space<vmem>>
        %dma_start3A_460 = tpu.memref_slice %arg5[%mul3A_446] : memref<325632xi32, #tpu.memory_space<hbm>> -> memref<64xi32, #tpu.memory_space<hbm>>
        %dma_start3A_461 = arith.constant 0 : i32
        %dma_start3A_462 = tpu.memref_slice %arg9[%dma_start3A_456, %dma_start3A_461] : memref<2x64xi32, #tpu.memory_space<vmem>> -> memref<1x64xi32, #tpu.memory_space<vmem>>
        %dma_start3A_463 = tpu.memref_squeeze %dma_start3A_462 : memref<1x64xi32, #tpu.memory_space<vmem>> -> memref<64xi32, #tpu.memory_space<vmem>>
        %dma_start3A_464 = tpu.memref_slice %arg5[%mul3A_446] : memref<325632xi32, #tpu.memory_space<hbm>> -> memref<64xi32, #tpu.memory_space<hbm>>
        tpu.enqueue_dma source(%dma_start3A_464 : memref<64xi32, #tpu.memory_space<hbm>>) target(%dma_start3A_463 : memref<64xi32, #tpu.memory_space<vmem>>) target_semaphore(%arg27 : memref<!tpu.dma_semaphore, #tpu.memory_space<semaphore_mem>>)
      } else {
      }
      %lt3A_425 = arith.constant 157 : i32
      %lt3A_426 = arith.cmpi slt, %add3A_362, %lt3A_425 : i32
      %convert_element_type3A_427 = arith.extui %lt3A_426 : i1 to i32
      %cond3A_428 = arith.constant 0 : i32
      %cond3A_429 = arith.cmpi ne, %convert_element_type3A_427, %cond3A_428 : i32
      scf.if %cond3A_429 {
        %dma_wait3A_442 = arith.constant 0 : i32
        %dma_wait3A_443 = arith.constant 0 : i32
        %dma_wait3A_444 = tpu.memref_slice %arg8[%dma_wait3A_442, %dma_wait3A_443] : memref<2x64xi32, #tpu.memory_space<vmem>> -> memref<1x64xi32, #tpu.memory_space<vmem>>
        %dma_wait3A_445 = tpu.memref_squeeze %dma_wait3A_444 : memref<1x64xi32, #tpu.memory_space<vmem>> -> memref<64xi32, #tpu.memory_space<vmem>>
        %dma_wait3A_446 = arith.constant 0 : i32
        %dma_wait3A_447 = tpu.memref_slice %arg4[%dma_wait3A_446] : memref<325632xi32, #tpu.memory_space<hbm>> -> memref<64xi32, #tpu.memory_space<hbm>>
        %dma_wait3A_448 = arith.constant 0 : i32
        %dma_wait3A_449 = tpu.memref_slice %arg8[%dma_wait3A_442, %dma_wait3A_448] : memref<2x64xi32, #tpu.memory_space<vmem>> -> memref<1x64xi32, #tpu.memory_space<vmem>>
        %dma_wait3A_450 = tpu.memref_squeeze %dma_wait3A_449 : memref<1x64xi32, #tpu.memory_space<vmem>> -> memref<64xi32, #tpu.memory_space<vmem>>
        %dma_wait3A_451 = arith.constant 0 : i32
        %dma_wait3A_452 = tpu.memref_slice %arg4[%dma_wait3A_451] : memref<325632xi32, #tpu.memory_space<hbm>> -> memref<64xi32, #tpu.memory_space<hbm>>
        tpu.wait_dma2 semaphore(%arg26 : memref<!tpu.dma_semaphore, #tpu.memory_space<semaphore_mem>>) src(%dma_wait3A_452 : memref<64xi32, #tpu.memory_space<hbm>>) dst(%dma_wait3A_450 : memref<64xi32, #tpu.memory_space<vmem>>)
        %dma_wait3A_453 = arith.constant 1 : i32
        %dma_wait3A_454 = arith.constant 0 : i32
        %dma_wait3A_455 = tpu.memref_slice %arg8[%dma_wait3A_453, %dma_wait3A_454] : memref<2x64xi32, #tpu.memory_space<vmem>> -> memref<1x64xi32, #tpu.memory_space<vmem>>
        %dma_wait3A_456 = tpu.memref_squeeze %dma_wait3A_455 : memref<1x64xi32, #tpu.memory_space<vmem>> -> memref<64xi32, #tpu.memory_space<vmem>>
        %dma_wait3A_457 = arith.constant 0 : i32
        %dma_wait3A_458 = tpu.memref_slice %arg5[%dma_wait3A_457] : memref<325632xi32, #tpu.memory_space<hbm>> -> memref<64xi32, #tpu.memory_space<hbm>>
        %dma_wait3A_459 = arith.constant 0 : i32
        %dma_wait3A_460 = tpu.memref_slice %arg8[%dma_wait3A_453, %dma_wait3A_459] : memref<2x64xi32, #tpu.memory_space<vmem>> -> memref<1x64xi32, #tpu.memory_space<vmem>>
        %dma_wait3A_461 = tpu.memref_squeeze %dma_wait3A_460 : memref<1x64xi32, #tpu.memory_space<vmem>> -> memref<64xi32, #tpu.memory_space<vmem>>
        %dma_wait3A_462 = arith.constant 0 : i32
        %dma_wait3A_463 = tpu.memref_slice %arg5[%dma_wait3A_462] : memref<325632xi32, #tpu.memory_space<hbm>> -> memref<64xi32, #tpu.memory_space<hbm>>
        tpu.wait_dma2 semaphore(%arg26 : memref<!tpu.dma_semaphore, #tpu.memory_space<semaphore_mem>>) src(%dma_wait3A_463 : memref<64xi32, #tpu.memory_space<hbm>>) dst(%dma_wait3A_461 : memref<64xi32, #tpu.memory_space<vmem>>)
        %dma_start3A_464 = arith.constant 0 : i32
        %dma_start3A_465 = arith.constant 0 : i32
        %dma_start3A_466 = arith.constant 0 : i32
        %dma_start3A_467 = tpu.memref_slice %arg14[%dma_start3A_465, %dma_start3A_466] : memref<128x64xi32, #tpu.memory_space<vmem>> -> memref<64x64xi32, #tpu.memory_space<vmem>>
        %dma_start3A_468 = arith.constant 0 : i32
        %dma_start3A_469 = tpu.memref_slice %arg8[%dma_start3A_464, %dma_start3A_468] : memref<2x64xi32, #tpu.memory_space<vmem>> -> memref<1x64xi32, #tpu.memory_space<vmem>>
        %dma_start3A_470 = tpu.memref_squeeze %dma_start3A_469 : memref<1x64xi32, #tpu.memory_space<vmem>> -> memref<64xi32, #tpu.memory_space<vmem>>
        %dma_start3A_471 = arith.constant 0 : i32
        %dma_start3A_472 = arith.constant 0 : i32
        %dma_start3A_473 = tpu.memref_slice %arg2[%dma_start3A_471, %dma_start3A_472] : memref<10016x64xi32, #tpu.memory_space<hbm>> -> memref<10016x64xi32, #tpu.memory_space<hbm>>
        tpu.enqueue_indirect_dma source(%dma_start3A_473 : memref<10016x64xi32, #tpu.memory_space<hbm>>) target(%dma_start3A_467 : memref<64x64xi32, #tpu.memory_space<vmem>>) offsets(%dma_start3A_470 : memref<64xi32, #tpu.memory_space<vmem>>) semaphore(%arg20 : memref<!tpu.dma_semaphore, #tpu.memory_space<semaphore_mem>>)
        %dma_start3A_474 = arith.constant 1 : i32
        %dma_start3A_475 = arith.constant 64 : i32
        %dma_start3A_476 = arith.constant 0 : i32
        %dma_start3A_477 = tpu.memref_slice %arg14[%dma_start3A_475, %dma_start3A_476] : memref<128x64xi32, #tpu.memory_space<vmem>> -> memref<64x64xi32, #tpu.memory_space<vmem>>
        %dma_start3A_478 = arith.constant 0 : i32
        %dma_start3A_479 = tpu.memref_slice %arg8[%dma_start3A_474, %dma_start3A_478] : memref<2x64xi32, #tpu.memory_space<vmem>> -> memref<1x64xi32, #tpu.memory_space<vmem>>
        %dma_start3A_480 = tpu.memref_squeeze %dma_start3A_479 : memref<1x64xi32, #tpu.memory_space<vmem>> -> memref<64xi32, #tpu.memory_space<vmem>>
        %dma_start3A_481 = arith.constant 0 : i32
        %dma_start3A_482 = arith.constant 0 : i32
        %dma_start3A_483 = tpu.memref_slice %arg3[%dma_start3A_481, %dma_start3A_482] : memref<10016x64xi32, #tpu.memory_space<hbm>> -> memref<10016x64xi32, #tpu.memory_space<hbm>>
        tpu.enqueue_indirect_dma source(%dma_start3A_483 : memref<10016x64xi32, #tpu.memory_space<hbm>>) target(%dma_start3A_477 : memref<64x64xi32, #tpu.memory_space<vmem>>) offsets(%dma_start3A_480 : memref<64xi32, #tpu.memory_space<vmem>>) semaphore(%arg20 : memref<!tpu.dma_semaphore, #tpu.memory_space<semaphore_mem>>)
      } else {
      }
      %scan3A_430 = arith.constant 0 : i32
      %scan3A_431 = arith.constant 64 : i32
      %scan3A_432 = arith.addi %scan3A_430, %scan3A_431 : i32
      %scan3A_433 = arith.constant 1 : i32
      scf.for %scan3A_442 = %scan3A_430 to %scan3A_432 step %scan3A_433  : i32 {
        %mul3A_443 = arith.constant 1 : i32
        %mul3A_444 = arith.muli %scan3A_442, %mul3A_443 : i32
        %add3A_445 = arith.constant 0 : i32
        %add3A_446 = arith.addi %add3A_445, %mul3A_444 : i32
        %get3A_447 = arith.index_cast %add3A_446 : i32 to index
        %get3A_448 = arith.constant 0 : index
        %get3A_449 = tpu.vector_load %arg15[%get3A_447, %get3A_448] {strides = array<i32>} : memref<128x64xi32, #tpu.memory_space<vmem>>, vector<16xi32>,
        %bitcast3A = vector.bitcast %get3A_449 : vector<16xi32> to vector<32xbf16>
        %add3A_450 = arith.constant 64 : i32
        %add3A_451 = arith.addi %add3A_450, %add3A_446 : i32
        %get3A_452 = arith.index_cast %add3A_451 : i32 to index
        %get3A_453 = arith.constant 0 : index
        %get3A_454 = tpu.vector_load %arg15[%get3A_452, %get3A_453] {strides = array<i32>} : memref<128x64xi32, #tpu.memory_space<vmem>>, vector<16xi32>,
        %bitcast3A_455 = vector.bitcast %get3A_454 : vector<16xi32> to vector<32xbf16>
        %add3A_456 = arith.addf %bitcast3A, %bitcast3A_455 : vector<32xbf16>
        %max3A = arith.constant 0.000000e+00 : bf16
        %max3A_457 = vector.broadcast %max3A : bf16 to vector<32xbf16>
        %max3A_458 = arith.maximumf %add3A_456, %max3A_457 : vector<32xbf16>
        %unpack3A = tpu.unpack_subelements %max3A_458, 0 {pack_format = #tpu.pack_format<interleaved>} : vector<32xbf16> -> vector<16xf32>
        %unpack3A_459 = tpu.unpack_subelements %max3A_458, 1 {pack_format = #tpu.pack_format<interleaved>} : vector<32xbf16> -> vector<16xf32>
        %swap3A_460 = arith.index_cast %add3A_446 : i32 to index
        %swap3A_461 = arith.constant 0 : index
        %swap3A_462 = tpu.vector_load %arg18[%swap3A_460, %swap3A_461] {strides = array<i32>} : memref<64x128xf32, #tpu.memory_space<vmem>>, vector<16xf32>,
        tpu.vector_store %arg18[%swap3A_460, %swap3A_461], %unpack3A {strides = array<i32>} : memref<64x128xf32, #tpu.memory_space<vmem>>, vector<16xf32>,
        %swap3A_463 = arith.index_cast %add3A_446 : i32 to index
        %swap3A_464 = arith.constant 16 : index
        %swap3A_465 = tpu.vector_load %arg18[%swap3A_463, %swap3A_464] {strides = array<i32>} : memref<64x128xf32, #tpu.memory_space<vmem>>, vector<16xf32>,
        tpu.vector_store %arg18[%swap3A_463, %swap3A_464], %unpack3A_459 {strides = array<i32>} : memref<64x128xf32, #tpu.memory_space<vmem>>, vector<16xf32>,
        %get3A_466 = arith.index_cast %add3A_446 : i32 to index
        %get3A_467 = arith.constant 16 : index
        %get3A_468 = tpu.vector_load %arg15[%get3A_466, %get3A_467] {strides = array<i32>} : memref<128x64xi32, #tpu.memory_space<vmem>>, vector<16xi32>,
        %bitcast3A_469 = vector.bitcast %get3A_468 : vector<16xi32> to vector<32xbf16>
        %add3A_470 = arith.constant 64 : i32
        %add3A_471 = arith.addi %add3A_470, %add3A_446 : i32
        %get3A_472 = arith.index_cast %add3A_471 : i32 to index
        %get3A_473 = arith.constant 16 : index
        %get3A_474 = tpu.vector_load %arg15[%get3A_472, %get3A_473] {strides = array<i32>} : memref<128x64xi32, #tpu.memory_space<vmem>>, vector<16xi32>,
        %bitcast3A_475 = vector.bitcast %get3A_474 : vector<16xi32> to vector<32xbf16>
        %add3A_476 = arith.addf %bitcast3A_469, %bitcast3A_475 : vector<32xbf16>
        %max3A_477 = arith.constant 0.000000e+00 : bf16
        %max3A_478 = vector.broadcast %max3A_477 : bf16 to vector<32xbf16>
        %max3A_479 = arith.maximumf %add3A_476, %max3A_478 : vector<32xbf16>
        %unpack3A_480 = tpu.unpack_subelements %max3A_479, 0 {pack_format = #tpu.pack_format<interleaved>} : vector<32xbf16> -> vector<16xf32>
        %unpack3A_481 = tpu.unpack_subelements %max3A_479, 1 {pack_format = #tpu.pack_format<interleaved>} : vector<32xbf16> -> vector<16xf32>
        %swap3A_482 = arith.index_cast %add3A_446 : i32 to index
        %swap3A_483 = arith.constant 32 : index
        %swap3A_484 = tpu.vector_load %arg18[%swap3A_482, %swap3A_483] {strides = array<i32>} : memref<64x128xf32, #tpu.memory_space<vmem>>, vector<16xf32>,
        tpu.vector_store %arg18[%swap3A_482, %swap3A_483], %unpack3A_480 {strides = array<i32>} : memref<64x128xf32, #tpu.memory_space<vmem>>, vector<16xf32>,
        %swap3A_485 = arith.index_cast %add3A_446 : i32 to index
        %swap3A_486 = arith.constant 48 : index
        %swap3A_487 = tpu.vector_load %arg18[%swap3A_485, %swap3A_486] {strides = array<i32>} : memref<64x128xf32, #tpu.memory_space<vmem>>, vector<16xf32>,
        tpu.vector_store %arg18[%swap3A_485, %swap3A_486], %unpack3A_481 {strides = array<i32>} : memref<64x128xf32, #tpu.memory_space<vmem>>, vector<16xf32>,
        %get3A_488 = arith.index_cast %add3A_446 : i32 to index
        %get3A_489 = arith.constant 32 : index
        %get3A_490 = tpu.vector_load %arg15[%get3A_488, %get3A_489] {strides = array<i32>} : memref<128x64xi32, #tpu.memory_space<vmem>>, vector<16xi32>,
        %bitcast3A_491 = vector.bitcast %get3A_490 : vector<16xi32> to vector<32xbf16>
        %add3A_492 = arith.constant 64 : i32
        %add3A_493 = arith.addi %add3A_492, %add3A_446 : i32
        %get3A_494 = arith.index_cast %add3A_493 : i32 to index
        %get3A_495 = arith.constant 32 : index
        %get3A_496 = tpu.vector_load %arg15[%get3A_494, %get3A_495] {strides = array<i32>} : memref<128x64xi32, #tpu.memory_space<vmem>>, vector<16xi32>,
        %bitcast3A_497 = vector.bitcast %get3A_496 : vector<16xi32> to vector<32xbf16>
        %add3A_498 = arith.addf %bitcast3A_491, %bitcast3A_497 : vector<32xbf16>
        %max3A_499 = arith.constant 0.000000e+00 : bf16
        %max3A_500 = vector.broadcast %max3A_499 : bf16 to vector<32xbf16>
        %max3A_501 = arith.maximumf %add3A_498, %max3A_500 : vector<32xbf16>
        %unpack3A_502 = tpu.unpack_subelements %max3A_501, 0 {pack_format = #tpu.pack_format<interleaved>} : vector<32xbf16> -> vector<16xf32>
        %unpack3A_503 = tpu.unpack_subelements %max3A_501, 1 {pack_format = #tpu.pack_format<interleaved>} : vector<32xbf16> -> vector<16xf32>
        %swap3A_504 = arith.index_cast %add3A_446 : i32 to index
        %swap3A_505 = arith.constant 64 : index
        %swap3A_506 = tpu.vector_load %arg18[%swap3A_504, %swap3A_505] {strides = array<i32>} : memref<64x128xf32, #tpu.memory_space<vmem>>, vector<16xf32>,
        tpu.vector_store %arg18[%swap3A_504, %swap3A_505], %unpack3A_502 {strides = array<i32>} : memref<64x128xf32, #tpu.memory_space<vmem>>, vector<16xf32>,
        %swap3A_507 = arith.index_cast %add3A_446 : i32 to index
        %swap3A_508 = arith.constant 80 : index
        %swap3A_509 = tpu.vector_load %arg18[%swap3A_507, %swap3A_508] {strides = array<i32>} : memref<64x128xf32, #tpu.memory_space<vmem>>, vector<16xf32>,
        tpu.vector_store %arg18[%swap3A_507, %swap3A_508], %unpack3A_503 {strides = array<i32>} : memref<64x128xf32, #tpu.memory_space<vmem>>, vector<16xf32>,
        %get3A_510 = arith.index_cast %add3A_446 : i32 to index
        %get3A_511 = arith.constant 48 : index
        %get3A_512 = tpu.vector_load %arg15[%get3A_510, %get3A_511] {strides = array<i32>} : memref<128x64xi32, #tpu.memory_space<vmem>>, vector<16xi32>,
        %bitcast3A_513 = vector.bitcast %get3A_512 : vector<16xi32> to vector<32xbf16>
        %add3A_514 = arith.constant 64 : i32
        %add3A_515 = arith.addi %add3A_514, %add3A_446 : i32
        %get3A_516 = arith.index_cast %add3A_515 : i32 to index
        %get3A_517 = arith.constant 48 : index
        %get3A_518 = tpu.vector_load %arg15[%get3A_516, %get3A_517] {strides = array<i32>} : memref<128x64xi32, #tpu.memory_space<vmem>>, vector<16xi32>,
        %bitcast3A_519 = vector.bitcast %get3A_518 : vector<16xi32> to vector<32xbf16>
        %add3A_520 = arith.addf %bitcast3A_513, %bitcast3A_519 : vector<32xbf16>
        %max3A_521 = arith.constant 0.000000e+00 : bf16
        %max3A_522 = vector.broadcast %max3A_521 : bf16 to vector<32xbf16>
        %max3A_523 = arith.maximumf %add3A_520, %max3A_522 : vector<32xbf16>
        %unpack3A_524 = tpu.unpack_subelements %max3A_523, 0 {pack_format = #tpu.pack_format<interleaved>} : vector<32xbf16> -> vector<16xf32>
        %unpack3A_525 = tpu.unpack_subelements %max3A_523, 1 {pack_format = #tpu.pack_format<interleaved>} : vector<32xbf16> -> vector<16xf32>
        %swap3A_526 = arith.index_cast %add3A_446 : i32 to index
        %swap3A_527 = arith.constant 96 : index
        %swap3A_528 = tpu.vector_load %arg18[%swap3A_526, %swap3A_527] {strides = array<i32>} : memref<64x128xf32, #tpu.memory_space<vmem>>, vector<16xf32>,
        tpu.vector_store %arg18[%swap3A_526, %swap3A_527], %unpack3A_524 {strides = array<i32>} : memref<64x128xf32, #tpu.memory_space<vmem>>, vector<16xf32>,
        %swap3A_529 = arith.index_cast %add3A_446 : i32 to index
        %swap3A_530 = arith.constant 112 : index
        %swap3A_531 = tpu.vector_load %arg18[%swap3A_529, %swap3A_530] {strides = array<i32>} : memref<64x128xf32, #tpu.memory_space<vmem>>, vector<16xf32>,
        tpu.vector_store %arg18[%swap3A_529, %swap3A_530], %unpack3A_525 {strides = array<i32>} : memref<64x128xf32, #tpu.memory_space<vmem>>, vector<16xf32>,
      }
      %scan3A_434 = arith.constant 64 : i32
      %dma_start3A_435 = arith.constant 0 : i32
      %dma_start3A_436 = arith.constant 0 : i32
      %dma_start3A_437 = tpu.memref_slice %arg12[%dma_start3A_435, %dma_start3A_436] : memref<1x64xi32, #tpu.memory_space<vmem>> -> memref<1x64xi32, #tpu.memory_space<vmem>>
      %dma_start3A_438 = tpu.memref_squeeze %dma_start3A_437 : memref<1x64xi32, #tpu.memory_space<vmem>> -> memref<64xi32, #tpu.memory_space<vmem>>
      %dma_start3A_439 = arith.constant 0 : i32
      %dma_start3A_440 = arith.constant 0 : i32
      %dma_start3A_441 = tpu.memref_slice %arg28[%dma_start3A_439, %dma_start3A_440] : memref<10016x128xf32, #tpu.memory_space<vmem_shared>> -> memref<10016x128xf32, #tpu.memory_space<vmem_shared>>
      tpu.enqueue_indirect_dma source(%arg18 : memref<64x128xf32, #tpu.memory_space<vmem>>) target(%dma_start3A_441 : memref<10016x128xf32, #tpu.memory_space<vmem_shared>>) offsets(%dma_start3A_438 : memref<64xi32, #tpu.memory_space<vmem>>) semaphore(%arg24 : memref<!tpu.dma_semaphore, #tpu.memory_space<semaphore_mem>>) {add = true}
    }
    %scan3A_170 = arith.constant 53 : i32
    %dma_wait3A_171 = arith.constant 0 : i32
    %dma_wait3A_172 = arith.constant 0 : i32
    %dma_wait3A_173 = tpu.memref_slice %arg10[%dma_wait3A_171, %dma_wait3A_172] : memref<1x64xi32, #tpu.memory_space<vmem>> -> memref<1x64xi32, #tpu.memory_space<vmem>>
    %dma_wait3A_174 = tpu.memref_squeeze %dma_wait3A_173 : memref<1x64xi32, #tpu.memory_space<vmem>> -> memref<64xi32, #tpu.memory_space<vmem>>
    %dma_wait3A_175 = arith.constant 0 : i32
    %dma_wait3A_176 = arith.constant 0 : i32
    %dma_wait3A_177 = tpu.memref_slice %arg28[%dma_wait3A_175, %dma_wait3A_176] : memref<10016x128xf32, #tpu.memory_space<vmem_shared>> -> memref<10016x128xf32, #tpu.memory_space<vmem_shared>>
    tpu.wait_indirect_dma semaphore(%arg22 : memref<!tpu.dma_semaphore, #tpu.memory_space<semaphore_mem>>) src(%arg16 : memref<64x128xf32, #tpu.memory_space<vmem>>) dst(%dma_wait3A_177 : memref<10016x128xf32, #tpu.memory_space<vmem_shared>>)
    %dma_wait3A_178 = arith.constant 0 : i32
    %dma_wait3A_179 = arith.constant 0 : i32
    %dma_wait3A_180 = tpu.memref_slice %arg11[%dma_wait3A_178, %dma_wait3A_179] : memref<1x64xi32, #tpu.memory_space<vmem>> -> memref<1x64xi32, #tpu.memory_space<vmem>>
    %dma_wait3A_181 = tpu.memref_squeeze %dma_wait3A_180 : memref<1x64xi32, #tpu.memory_space<vmem>> -> memref<64xi32, #tpu.memory_space<vmem>>
    %dma_wait3A_182 = arith.constant 0 : i32
    %dma_wait3A_183 = arith.constant 0 : i32
    %dma_wait3A_184 = tpu.memref_slice %arg28[%dma_wait3A_182, %dma_wait3A_183] : memref<10016x128xf32, #tpu.memory_space<vmem_shared>> -> memref<10016x128xf32, #tpu.memory_space<vmem_shared>>
    tpu.wait_indirect_dma semaphore(%arg23 : memref<!tpu.dma_semaphore, #tpu.memory_space<semaphore_mem>>) src(%arg17 : memref<64x128xf32, #tpu.memory_space<vmem>>) dst(%dma_wait3A_184 : memref<10016x128xf32, #tpu.memory_space<vmem_shared>>)
    %dma_wait3A_185 = arith.constant 0 : i32
    %dma_wait3A_186 = arith.constant 0 : i32
    %dma_wait3A_187 = tpu.memref_slice %arg12[%dma_wait3A_185, %dma_wait3A_186] : memref<1x64xi32, #tpu.memory_space<vmem>> -> memref<1x64xi32, #tpu.memory_space<vmem>>
    %dma_wait3A_188 = tpu.memref_squeeze %dma_wait3A_187 : memref<1x64xi32, #tpu.memory_space<vmem>> -> memref<64xi32, #tpu.memory_space<vmem>>
    %dma_wait3A_189 = arith.constant 0 : i32
    %dma_wait3A_190 = arith.constant 0 : i32
    %dma_wait3A_191 = tpu.memref_slice %arg28[%dma_wait3A_189, %dma_wait3A_190] : memref<10016x128xf32, #tpu.memory_space<vmem_shared>> -> memref<10016x128xf32, #tpu.memory_space<vmem_shared>>
    tpu.wait_indirect_dma semaphore(%arg24 : memref<!tpu.dma_semaphore, #tpu.memory_space<semaphore_mem>>) src(%arg18 : memref<64x128xf32, #tpu.memory_space<vmem>>) dst(%dma_wait3A_191 : memref<10016x128xf32, #tpu.memory_space<vmem_shared>>)
    %barrier3A_192 = arith.constant 0 : index
    tpu.barrier barrier_id(%barrier3A_192)
    "tpu.region"() ({
      %run_scoped3A = tpu.sem_alloc : memref<!tpu.dma_semaphore, #tpu.memory_space<semaphore_mem>>
      %dma_start3A_198 = arith.constant 0 : i32
      %dma_start3A_199 = arith.constant 0 : i32
      %dma_start3A_200 = tpu.memref_slice %arg6[%arg0, %dma_start3A_198, %dma_start3A_199] : memref<2x10000x128xf32, #tpu.memory_space<hbm>> -> memref<1x10000x128xf32, #tpu.memory_space<hbm>>
      %dma_start3A_201 = tpu.memref_squeeze %dma_start3A_200 : memref<1x10000x128xf32, #tpu.memory_space<hbm>> -> memref<10000x128xf32, #tpu.memory_space<hbm>>
      %dma_start3A_202 = arith.constant 0 : i32
      %dma_start3A_203 = tpu.memref_slice %dma_start3A_201[%mul3A_8, %dma_start3A_202] : memref<10000x128xf32, #tpu.memory_space<hbm>> -> memref<624x128xf32, #tpu.memory_space<hbm>>
      %dma_start3A_204 = arith.constant 0 : i32
      %dma_start3A_205 = tpu.memref_slice %arg28[%mul3A_8, %dma_start3A_204] : memref<10016x128xf32, #tpu.memory_space<vmem_shared>> -> memref<624x128xf32, #tpu.memory_space<vmem_shared>>
      tpu.enqueue_dma source(%dma_start3A_205 : memref<624x128xf32, #tpu.memory_space<vmem_shared>>) target(%dma_start3A_203 : memref<624x128xf32, #tpu.memory_space<hbm>>) target_semaphore(%run_scoped3A : memref<!tpu.dma_semaphore, #tpu.memory_space<semaphore_mem>>)
      %dma_wait3A_206 = arith.constant 0 : i32
      %dma_wait3A_207 = arith.constant 0 : i32
      %dma_wait3A_208 = tpu.memref_slice %arg6[%arg0, %dma_wait3A_206, %dma_wait3A_207] : memref<2x10000x128xf32, #tpu.memory_space<hbm>> -> memref<1x10000x128xf32, #tpu.memory_space<hbm>>
      %dma_wait3A_209 = tpu.memref_squeeze %dma_wait3A_208 : memref<1x10000x128xf32, #tpu.memory_space<hbm>> -> memref<10000x128xf32, #tpu.memory_space<hbm>>
      %dma_wait3A_210 = arith.constant 0 : i32
      %dma_wait3A_211 = tpu.memref_slice %dma_wait3A_209[%mul3A_8, %dma_wait3A_210] : memref<10000x128xf32, #tpu.memory_space<hbm>> -> memref<624x128xf32, #tpu.memory_space<hbm>>
      %dma_wait3A_212 = arith.constant 0 : i32
      %dma_wait3A_213 = tpu.memref_slice %arg28[%mul3A_8, %dma_wait3A_212] : memref<10016x128xf32, #tpu.memory_space<vmem_shared>> -> memref<624x128xf32, #tpu.memory_space<vmem_shared>>
      tpu.wait_dma2 semaphore(%run_scoped3A : memref<!tpu.dma_semaphore, #tpu.memory_space<semaphore_mem>>) src(%dma_wait3A_213 : memref<624x128xf32, #tpu.memory_space<vmem_shared>>) dst(%dma_wait3A_211 : memref<624x128xf32, #tpu.memory_space<hbm>>)
      tpu.yield
    }) : () -> ()
    %eq3A_193 = arith.constant 15 : i32
    %eq3A_194 = arith.cmpi eq, %arg1, %eq3A_193 : i32
    %convert_element_type3A_195 = arith.extui %eq3A_194 : i1 to i32
    %cond3A_196 = arith.constant 0 : i32
    %cond3A_197 = arith.cmpi ne, %convert_element_type3A_195, %cond3A_196 : i32
    scf.if %cond3A_197 {
      "tpu.region"() ({
        %run_scoped3A = tpu.sem_alloc : memref<!tpu.dma_semaphore, #tpu.memory_space<semaphore_mem>>
        %dma_start3A_198 = arith.constant 0 : i32
        %dma_start3A_199 = arith.constant 0 : i32
        %dma_start3A_200 = tpu.memref_slice %arg6[%arg0, %dma_start3A_198, %dma_start3A_199] : memref<2x10000x128xf32, #tpu.memory_space<hbm>> -> memref<1x10000x128xf32, #tpu.memory_space<hbm>>
        %dma_start3A_201 = tpu.memref_squeeze %dma_start3A_200 : memref<1x10000x128xf32, #tpu.memory_space<hbm>> -> memref<10000x128xf32, #tpu.memory_space<hbm>>
        %dma_start3A_202 = arith.constant 9984 : i32
        %dma_start3A_203 = arith.constant 0 : i32
        %dma_start3A_204 = tpu.memref_slice %dma_start3A_201[%dma_start3A_202, %dma_start3A_203] : memref<10000x128xf32, #tpu.memory_space<hbm>> -> memref<16x128xf32, #tpu.memory_space<hbm>>
        %dma_start3A_205 = arith.constant 9984 : i32
        %dma_start3A_206 = arith.constant 0 : i32
        %dma_start3A_207 = tpu.memref_slice %arg28[%dma_start3A_205, %dma_start3A_206] : memref<10016x128xf32, #tpu.memory_space<vmem_shared>> -> memref<16x128xf32, #tpu.memory_space<vmem_shared>>
        tpu.enqueue_dma source(%dma_start3A_207 : memref<16x128xf32, #tpu.memory_space<vmem_shared>>) target(%dma_start3A_204 : memref<16x128xf32, #tpu.memory_space<hbm>>) target_semaphore(%run_scoped3A : memref<!tpu.dma_semaphore, #tpu.memory_space<semaphore_mem>>)
        %dma_wait3A_208 = arith.constant 0 : i32
        %dma_wait3A_209 = arith.constant 0 : i32
        %dma_wait3A_210 = tpu.memref_slice %arg6[%arg0, %dma_wait3A_208, %dma_wait3A_209] : memref<2x10000x128xf32, #tpu.memory_space<hbm>> -> memref<1x10000x128xf32, #tpu.memory_space<hbm>>
        %dma_wait3A_211 = tpu.memref_squeeze %dma_wait3A_210 : memref<1x10000x128xf32, #tpu.memory_space<hbm>> -> memref<10000x128xf32, #tpu.memory_space<hbm>>
        %dma_wait3A_212 = arith.constant 9984 : i32
        %dma_wait3A_213 = arith.constant 0 : i32
        %dma_wait3A_214 = tpu.memref_slice %dma_wait3A_211[%dma_wait3A_212, %dma_wait3A_213] : memref<10000x128xf32, #tpu.memory_space<hbm>> -> memref<16x128xf32, #tpu.memory_space<hbm>>
        %dma_wait3A_215 = arith.constant 9984 : i32
        %dma_wait3A_216 = arith.constant 0 : i32
        %dma_wait3A_217 = tpu.memref_slice %arg28[%dma_wait3A_215, %dma_wait3A_216] : memref<10016x128xf32, #tpu.memory_space<vmem_shared>> -> memref<16x128xf32, #tpu.memory_space<vmem_shared>>
        tpu.wait_dma2 semaphore(%run_scoped3A : memref<!tpu.dma_semaphore, #tpu.memory_space<semaphore_mem>>) src(%dma_wait3A_217 : memref<16x128xf32, #tpu.memory_space<vmem_shared>>) dst(%dma_wait3A_214 : memref<16x128xf32, #tpu.memory_space<hbm>>)
        tpu.yield
      }) : () -> ()
    } else {
    }
    return
  }
}

</mosaic_0001>

<sc_bundles>
// kernel: _sc_edge.3.cloned.1.call-start
scs
__scs_entry_jumppad:
0x0: {  	(pc) =	sbr.rel $0x88, $3  }
0x1: {  	(tag) =	ssettag $0x0;
	lr =	simm.s32 $0x1  }
0x2: {  	[smem:$0x3F9D] =	sst lr;
	_ =	strace $0xD0000000  }
0x3: {  	_ = 	snop  }
0x4: {  	_ = 	snop  }
0x5: {  	_ = 	snop  }
0x6: {  	_ = 	snop  }
0x7: {  	_ = 	snop  }
__scs_overlays_trampoline_lowered:
0x8: {  	[smem:$0x3FAC] =	sst s0  }
0x9: {  	[smem:$0x3FAD] =	sst s1  }
0xa: {  	[smem:$0x3FAE] =	sst s2  }
0xb: {  	[smem:$0x3FAF] =	sst s3  }
0xc: {  	[smem:$0x3FB0] =	sst s4  }
0xd: {  	[smem:$0x3FB1] =	sst s5  }
0xe: {  	[smem:$0x3FB2] =	sst s6  }
0xf: {  	[smem:$0x3FB3] =	sst s7  }
0x10: {  	[smem:$0x3FB4] =	sst s8  }
0x11: {  	[smem:$0x3FB5] =	sst s9;
	s0 =	simm.s32 @!p0 $0x0  }
0x12: {  	s1 =	sld [smem:$0x3F9B];
	s0 =	simm.s32 @p0 $0x1  }
0x13: {  	[smem:$0x3FB6] =	sst s0;
	s0 =	simm.s32 @!p1 $0x0  }
0x14: {  	s2 =	sld [smem:$0x3F9A];
	s0 =	simm.s32 @p1 $0x1  }
0x15: {  	[smem:$0x3FB7] =	sst s0;
	s0 =	simm.s32 @!p2 $0x0  }
0x16: {  	s3 =	sld [smem:$0x3FDB];
	s0 =	simm.s32 @p2 $0x1  }
0x17: {  	s4 =	simm.s32 $0x1BF5;
	[smem:$0x3FB9] =	sst s0  }
0x18: {  	s0 =	sld [smem:$0x3F9C];
	_ =	swait.ge [sflag:s4], $0x0  }
0x19: {  	s7 =	sld [smem:$0x3F9D]  }
0x1a: {  	s8 =	sadd.s32 $0xFFFFE003, lr  }
0x1b: {  	s9 =	sadd.s32 $0xFFFFFEF7, lr;
	s5 =	simm.s32 $0xFFFFFFFF;
	p2 =	slt.u32 s8, $0xFFFFF086  }
0x1c: {  	p1 =	slt.u32 s9, $0xF7A;
	s5 =	simm.s32 @!p2 $0x0  }
0x1d: {  	s5 =	simm.s32 @p1 $0x1;
	p0 =	seq.s32 s7, s2  }
0x1e: {  	s7 =	smul.u32 @!p0 $0xF7A, s2;
	p2 =	seq.s32 @!p0 s5, $0x0  }
0x1f: {  	s9 =	smul.u32 $0xF7A, s1;
	s8 =	simm.s32 @!p0 $0x1BF5;
	p2 =	por !p2, p0  }
0x20: {  	[sflag:s8] =	ssyncset.s32 @!p0 $0xFFFFF086;
	s6 =	sadd.s32 @!p0 s3, s7;
	s7 =	simm.s32 @!p0 $0x108  }
0x21: {  	s3 =	sadd.s32 s3, s9;
	s6 =	sadd.s32 @!p0 $0x88, s6;
	s7 =	simm.s32 @p2 $0x1082  }
0x22: {  	[simem:s7], [sflag:s8] =	dma.local @!p0 [hbm:s6], $0xF7A  }
0x23: {  	s9 =	sor.u32 $0xD0000000, s2;
	s6 =	simm.s32 $0x108;
	_ =	swait.ge @!p0 [sflag:s8], $0x0  }
0x24: {  	s3 =	sadd.s32 $0x88, s3;
	s6 =	simm.s32 @!p1 $0x1082;
	[sflag:s4] =	ssyncset.s32 $0xFFFFF086  }
0x25: {  	[simem:s6], [sflag:s4] =	dma.local [hbm:s3], $0xF7A  }
0x26: {  	[smem:$0x3F9D] =	sst s1;
	(tag) =	ssettag s2;
	_ =	strace s9  }
0x27: {  	s1 =	sld [smem:$0x3FAD]  }
0x28: {  	s2 =	sld [smem:$0x3FAE]  }
0x29: {  	s4 =	sld [smem:$0x3FB0]  }
0x2a: {  	p0 =	seq.s32 s5, $0x0;
	s5 =	sld [smem:$0x3FB1]  }
0x2b: {  	s6 =	sld [smem:$0x3FB2]  }
0x2c: {  	s7 =	sld [smem:$0x3FB3]  }
0x2d: {  	s3 =	simm.s32 $0x108;
	s8 =	sld [smem:$0x3FB4]  }
0x2e: {  	s3 =	simm.s32 @!p0 $0x1082;
	s9 =	sld [smem:$0x3FB5]  }
0x2f: {  	lr =	sadd.s32 s0, s3;
	s0 =	sld [smem:$0x3FAC]  }
0x30: {  	s3 =	sld [smem:$0x3FAF]  }
0x31: {  	[smem:$0x3FB8] =	sst s10  }
0x32: {  	s10 =	sld [smem:$0x3FB6];
	_ =	sdelay $0x3  }
0x33: {  	p0 =	seq.s32 s10, $0x1;
	s10 =	sld [smem:$0x3FB8];
	_ =	sdelay $0x3  }
0x34: {  	[smem:$0x3FB8] =	sst s10  }
0x35: {  	s10 =	sld [smem:$0x3FB7];
	_ =	sdelay $0x3  }
0x36: {  	p1 =	seq.s32 s10, $0x1;
	s10 =	sld [smem:$0x3FB8];
	_ =	sdelay $0x3  }
0x37: {  	[smem:$0x3FB8] =	sst s10  }
0x38: {  	s10 =	sld [smem:$0x3FB9]  }
0x39: {  	_ = 	snop;
	(pc) =	sbr.ind lr, $3  }
0x3a: {  	_ = 	snop  }
0x3b: {  	_ = 	snop  }
0x3c: {  	p2 =	seq.s32 s10, $0x1;
	s10 =	sld [smem:$0x3FB8]  }
0x3d: {  	_ =	shalt  }
0x3e: {  	_ =	shalt  }
0x3f: {  	_ =	shalt  }
0x40: {  	_ =	shalt  }
0x41: {  	_ =	shalt  }
0x42: {  	_ =	shalt  }
0x43: {  	_ =	shalt  }
0x44: {  	_ =	shalt  }
0x45: {  	_ =	shalt  }
0x46: {  	_ =	shalt  }
0x47: {  	_ =	shalt  }
0x48: {  	_ =	shalt  }
0x49: {  	_ =	shalt  }
0x4a: {  	_ =	shalt  }
0x4b: {  	_ =	shalt  }
0x4c: {  	_ =	shalt  }
0x4d: {  	_ =	shalt  }
0x4e: {  	_ =	shalt  }
0x4f: {  	_ =	shalt  }
0x50: {  	_ =	shalt  }
0x51: {  	_ =	shalt  }
0x52: {  	_ =	shalt  }
0x53: {  	_ =	shalt  }
0x54: {  	_ =	shalt  }
0x55: {  	_ =	shalt  }
0x56: {  	_ =	shalt  }
0x57: {  	_ =	shalt  }
0x58: {  	_ =	shalt  }
0x59: {  	_ =	shalt  }
0x5a: {  	_ =	shalt  }
0x5b: {  	_ =	shalt  }
0x5c: {  	_ =	shalt  }
0x5d: {  	_ =	shalt  }
0x5e: {  	_ =	shalt  }
0x5f: {  	_ =	shalt  }
0x60: {  	_ =	shalt  }
0x61: {  	_ =	shalt  }
0x62: {  	_ =	shalt  }
0x63: {  	_ =	shalt  }
0x64: {  	_ =	shalt  }
0x65: {  	_ =	shalt  }
0x66: {  	_ =	shalt  }
0x67: {  	_ =	shalt  }
0x68: {  	_ =	shalt  }
0x69: {  	_ =	shalt  }
0x6a: {  	_ =	shalt  }
0x6b: {  	_ =	shalt  }
0x6c: {  	_ =	shalt  }
0x6d: {  	_ =	shalt  }
0x6e: {  	_ =	shalt  }
0x6f: {  	_ =	shalt  }
0x70: {  	_ =	shalt  }
0x71: {  	_ =	shalt  }
0x72: {  	_ =	shalt  }
0x73: {  	_ =	shalt  }
0x74: {  	_ =	shalt  }
0x75: {  	_ =	shalt  }
0x76: {  	_ =	shalt  }
0x77: {  	_ =	shalt  }
0x78: {  	_ =	shalt  }
0x79: {  	_ =	shalt  }
0x7a: {  	_ =	shalt  }
0x7b: {  	_ =	shalt  }
0x7c: {  	_ =	shalt  }
0x7d: {  	_ =	shalt  }
0x7e: {  	_ =	shalt  }
0x7f: {  	_ =	shalt  }
0x80: {  	_ =	shalt  }
0x81: {  	_ =	shalt  }
0x82: {  	_ =	shalt  }
0x83: {  	_ =	shalt  }
0x84: {  	_ =	shalt  }
0x85: {  	_ =	shalt  }
0x86: {  	_ =	shalt  }
0x87: {  	_ =	shalt  }
.Lfunc_end0:
.L_simem_size_0:
called_computation_lowered:
.L_overlay_start_0:
0x88: {  	s2 =	sld [smem:$0x3FD9]  }
0x89: {  	s3 =	sld [smem:$0x3FFE];
	_ =	sdelay $0x1  }
0x8a: {  	s1 =	srdreg.scid  }
0x8b: {  	s0 =	sand.u32 $0x1, s1  }
0x8c: {  	s17 =	sshll.u32 s0, $0xA;
	s2 =	sadd.s32 s3, s2  }
0x8d: {  	s2 =	sadd.s32 s2, s17  }
0x8e: {  	[smem:$0x3FC4] =	sst s2  }
0x8f: {  	_ = 	snop  }
0x90: {  	s2 =	sld [smem:$0x3FC7]  }
0x91: {  	s18 =	sld [smem:$0x3FC6]  }
0x92: {  	s4 =	sld [smem:$0x3FD0];
	(tm) =	ssettm $0x1  }
0x93: {  	s5 =	sld [smem:$0x3FFB];
	_ =	sdelay $0x3  }
0x94: {  	_ =	strace s5  }
0x95: {  	s5 =	sld [smem:$0x3FFC];
	_ =	sdelay $0x3  }
0x96: {  	_ =	strace s5  }
0x97: {  	s5 =	sld [smem:$0x3FFD];
	_ =	sdelay $0x3  }
0x98: {  	_ =	strace s5  }
0x99: {  	_ =	strace $0x8FFFFFFF  }
0x9a: {  	s19 =	sld [smem:$0x3FDB];
	_ =	sdelay $0x1  }
0x9b: {  	s6 =	simm.s32 $_scs_section_size  }
0x9c: {  	s7 =	simm.s32 $_size__tile_overlayer_lowered;
	s8 =	simm.s32 $_tile_overlayer_lowered  }
0x9d: {  	s22 =	simm.s32 $0x1BFF;
	s21 =	sshll.u32 s8, $0x1;
	s5 =	sadd.s32 s6, s19  }
0x9e: {  	s9 =	simm.s32 $0x0;
	s20 =	sshll.u32 s7, $0x1;
	s7 =	sadd.s32 s21, s5  }
0x9f: {  	[timem:s9], [sflag:s22] =	dma.local [hbm:s7], s20  }
0xa0: {  	_ =	swait.ge [sflag:s22], s20  }
0xa1: {  	s6 =	ssub.s32 $0x0, s20;
	[sflag:s22] =	ssyncset.done $0x0  }
0xa2: {  	[sflag:s22] =	ssyncadd.s32 s6;
	_ =	sdelay $0x1  }
0xa3: {  	s23 =	simm.s32 $0x1B8B  }
0xa4: {  	_ =	swait.ge [sflag:s23], $0x1  }
0xa5: {  	[sflag:s23] =	ssyncset.done $0x0  }
0xa6: {  	s25 =	simm.s32 $0x1B8E;
	s24 =	sld [smem:$0x3FFE];
	[sflag:s23] =	ssyncadd.s32 $0xFFFFFFFF  }
0xa7: {  	s26 =	simm.s32 $execute0_lowered;
	[smem:$0x3FD2] =	sst s25  }
0xa8: {  	s7 =	sshll.u32 s26, $0x1;
	_ =	strace $0x80000046;
	[dreg:$0x1] =	wrdreg $0xFFFFFFFF  }
0xa9: {  	s28 =	simm.s32 $_size_execute0_lowered;
	s5 =	sadd.s32 s5, s7;
	[dreg:$0x0] =	wrdreg $0x0  }
0xaa: {  	s7 =	sshll.u32 s28, $0x1;
	[dreg:$0x2] =	wrdreg s5  }
0xab: {  	[dreg:$0x3] =	wrdreg s7  }
0xac: {  	[dreg:$0x4] =	wrdreg $0xC0  }
0xad: {  	_ =	task [dreg:s9], $0x5FFFF  }
0xae: {  	[dreg:$0x1] =	wrdreg $0xFFFFFFFF  }
0xaf: {  	[dreg:$0x0] =	wrdreg $0x60  }
0xb0: {  	[dreg:$0x2] =	wrdreg s24  }
0xb1: {  	[dreg:$0x3] =	wrdreg s2  }
0xb2: {  	[dreg:$0x4] =	wrdreg s18  }
0xb3: {  	[dreg:$0x5] =	wrdreg s4  }
0xb4: {  	[dreg:$0x6] =	wrdreg $0xC2400  }
0xb5: {  	[dreg:$0x7] =	wrdreg $0x9  }
0xb6: {  	_ =	task.clear_ibuf [dreg:s9], $0x8FFFF;
	_ =	strace $0x90000046  }
0xb7: {  	s29 =	simm.s32 $0x9;
	_ =	strace $0x80000048  }
0xb8: {  	_ =	swait.ge [sflag:s29], $0x1  }
0xb9: {  	[sflag:s29] =	ssyncadd.s32 $0xFFFFFFFF  }
0xba: {  	_ =	strace $0x90000048  }
0xbb: {  	_ =	sfence  }
0xbc: {  	s30 =	sld [smem:$0x0];
	_ =	sdelay $0x2  }
0xbd: {  	s31 =	sshll.u32 s1, $0xD;
	s1 =	sshrl.u32 s1, $0x2  }
0xbe: {  	s3 =	sand.u32 $0x4000, s31;
	s1 =	sadd.s32 s1, s30  }
0xbf: {  	s0 =	sor.u32 s3, s0;
	s1 =	sshll.u32 s1, $0x11  }
0xc0: {  	s0 =	sor.u32 s1, s0  }
0xc1: {  	s0 =	sadd.s32 $0x8F2B, s0  }
0xc2: {  	[sflag:s0] =	ssyncadd.remote.s32 $0x1  }
0xc3: {  	_ =	sfence.sel $0xFFFF  }
0xc4: {  	[dreg:$0x0] =	wrdreg $0xFFFFFFFF;
	(pc) =	sbr.abs _section_cstart, $3  }
0xc5: {  	[dreg:$0x1] =	wrdreg $0xFFFFFFFF  }
0xc6: {  	_ =	task.clear_ibuf [dreg:s9], $0x2FFFF;
	_ =	strace $0x9FFFFFFF  }
0xc7: {  	(tm) =	ssettm $0x7FFFFFFF  }
tec
execute0_lowered:
.L_overlay_start_1:
0x0: {  	(tag) =	ssettag $0x1  }
0x1: {  	s0 =	rddreg [dreg:$0x0]  }
0x2: {  	s1 =	rddreg [dreg:$0x1]  }
0x3: {  	s2 =	rddreg [dreg:$0x2]  }
0x4: {  	s5 =	rddreg [dreg:$0x3]  }
0x5: {  	s3 =	rddreg [dreg:$0x4]  }
0x6: {  	s4 =	simm.s32 $0x0;
	s6 =	srdreg.scid;
	s13 =	stileid.u32  }
0x7: {  	s28 =	simm.s32 $0x8240;
	s29 =	simm.s32 $0x3;
	s30 =	simm.s32 $0x200  }
0x8: {  	s31 =	simm.s32 $0xA240;
	[smem:$0x7FF] =	sst s4;
	s8 =	sand.u32 $0x1, s6  }
0x9: {  	s6 =	sadd.s32 $0x600, s0;
	s11 =	smul.u32 $0x4E000, s13;
	s16 =	sadd.s32 $0x138000, s3  }
0xa: {  	s26 =	smul.u32 $0x13800, s13;
	p0 =	sne.s32 s13, $0xF;
	_ =	strace $0x80000047  }
0xb: {  	s7 =	sshll.u32 s8, $0x4;
	s9 =	ssub.s32 $0x2, s8;
	s8 =	smul.u32 $0x27100, s8  }
0xc: {  	[dreg:$0x8] =	wrdreg s16;
	s10 =	sor.u32 s13, s7;
	s7 =	sadd.s32 $0x14000, s0  }
0xd: {  	s18 =	sshrl.u32 s9, $0x1;
	s11 =	sshrl.u32 s11, $0x2;
	s13 =	simm.s32 $0x2  }
0xe: {  	s12 =	smul.u32 $0x27C0, s10;
	s0 =	ssub.s32 s9, s18;
	s5 =	sadd.s32 s5, s8  }
0xf: {  	s19 =	smul.u32 $0x9F, s10;
	s14 =	sadd.s32 s11, s3;
	[dreg:$0xf] =	wrdreg s5  }
0x10: {  	s10 =	smul.u32 $0x4F8, s10;
	s21 =	sadd.s32 $0x12000, s14;
	[dreg:$0x6] =	wrdreg s14  }
0x11: {  	s8 =	sshrl.u32 s26, $0x3;
	s0 =	smax.u32 s0, $0x1;
	[dreg:$0x7] =	wrdreg s21  }
0x12: {  	s9 =	simm.s32 $0xA;
	s15 =	sadd.s32 s1, s10;
	[dreg:$0x10] =	wrdreg s0  }
0x13: {  	s20 =	sshrl.u32 s12, $0x3;
	s10 =	sadd.s32 s2, s10;
	[dreg:$0x9] =	wrdreg s15  }
0x14: {  	s17 =	sadd.s32 $0x3, s19;
	s12 =	sadd.s32 $0x4000, s14;
	[dreg:$0xa] =	wrdreg s10  }
0x15: {  	s18 =	sadd.s32 $0x4, s19;
	s21 =	sadd.s32 $0x6000, s14;
	[dreg:$0x12] =	wrdreg s12  }
0x16: {  	s22 =	sadd.s32 $0x8, s20;
	s15 =	sadd.s32 s8, s5;
	[dreg:$0x15] =	wrdreg s21  }
0x17: {  	s19 =	sadd.s32 $0x5, s19;
	s23 =	sadd.s32 s1, s22;
	[dreg:$0x13] =	wrdreg s15  }
0x18: {  	s25 =	sadd.s32 $0x10, s20;
	s24 =	sadd.s32 s2, s22;
	[dreg:$0xb] =	wrdreg s23  }
0x19: {  	s5 =	simm.s32 $0x6240;
	s11 =	sadd.s32 s1, s25;
	[dreg:$0xc] =	wrdreg s24  }
0x1a: {  	s12 =	simm.s32 $0x5240;
	s10 =	sadd.s32 s2, s25;
	[dreg:$0xd] =	wrdreg s11  }
0x1b: {  	s22 =	sadd.s32 $0x8000, s14;
	s25 =	sadd.s32 $0xE000, s14;
	[dreg:$0xe] =	wrdreg s10  }
0x1c: {  	s15 =	simm.s32 $0x140;
	s10 =	sadd.s32 s26, s3;
	[dreg:$0x16] =	wrdreg s22  }
0x1d: {  	s11 =	sadd.s32 $0x2000, s14;
	s23 =	sadd.s32 $0xA000, s14;
	[dreg:$0x19] =	wrdreg s25  }
0x1e: {  	s24 =	sadd.s32 $0xC000, s14;
	s26 =	sadd.s32 $0x10000, s14;
	[dreg:$0x11] =	wrdreg s11  }
0x1f: {  	s14 =	simm.s32 $0x100;
	s22 =	simm.s32 $0x1;
	[dreg:$0x17] =	wrdreg s23  }
0x20: {  	s25 =	simm.s32 $0x180;
	s20 =	sshrl.u32 s10, $0x3;
	[dreg:$0x18] =	wrdreg s24  }
0x21: {  	[dreg:$0x1a] =	wrdreg s26;
	s11 =	simm.s32 $0x40;
	s23 =	simm.s32 $0x9  }
0x22: {  	v0 =	vimm.f32 $0.0e+00;
	v1 =	vimm.bf16 $0.0e+00;
	s24 =	simm.s32 $0x4240;
	s26 =	simm.s32 $0x1C0;
	[dreg:$0x14] =	wrdreg s20  }
.LBB2_1:
0x23: {  	s0 =	simm.s32 $0x0;
	s8 =	simm.s32 $0x200  }
.LBB2_2:
0x24: {  	p1 =	sne.s32 s8, $0x7E00;
	[tilespmem:s0+$0x62B0] =	vst v0  }
0x25: {  	[tilespmem:s0+$0x6240] =	vst v0  }
0x26: {  	[tilespmem:s0+$0x6250] =	vst v0  }
.Ltmp0:
0x27: {  	[tilespmem:s0+$0x6260] =	vst v0;
	(pc) =	sbr.rel @p1 .LBB2_2-.Ltmp0, $4  }
0x28: {  	[tilespmem:s0+$0x6270] =	vst v0  }
0x29: {  	[tilespmem:s0+$0x6280] =	vst v0  }
0x2a: {  	[tilespmem:s0+$0x6290] =	vst v0  }
0x2b: {  	[tilespmem:s0+$0x62A0] =	vst v0;
	s0 =	sshra.s32 s8, $0x2;
	s8 =	sadd.s32 $0x200, s8  }
0x2c: {  	[tilespmem:s0+$0x62B0] =	vst v0  }
0x2d: {  	[tilespmem:s0+$0x6240] =	vst v0  }
0x2e: {  	[tilespmem:s0+$0x6250] =	vst v0  }
0x2f: {  	[tilespmem:s0+$0x6260] =	vst v0  }
0x30: {  	[tilespmem:s0+$0x6270] =	vst v0  }
0x31: {  	[tilespmem:s0+$0x6280] =	vst v0  }
0x32: {  	[tilespmem:s0+$0x6290] =	vst v0  }
0x33: {  	[tilespmem:s0+$0x62A0] =	vst v0;
	s8 =	rddreg [dreg:$0x6]  }
0x34: {  	[spmem:s8] =	stream.linear.scatter [tilespmem:s5], [sflag:$0xA], $0x2000, $0x38;
	[tilespmem:$0x1FB40] =	vst v63  }
0x35: {  	_ =	swait.ge [sflag:s9], $0x2000  }
0x36: {  	[sflag:s9] =	ssyncset.done $0x0  }
0x37: {  	s10 =	rddreg [dreg:$0x11];
	[sflag:s9] =	ssyncadd.s32 $0xFFFFE000  }
0x38: {  	[spmem:s10] =	stream.linear.scatter [tilespmem:s5], [sflag:$0xA], $0x2000, $0x38;
	[tilespmem:$0x1FB40] =	vst v63  }
0x39: {  	_ =	swait.ge [sflag:s9], $0x2000  }
0x3a: {  	[sflag:s9] =	ssyncset.done $0x0  }
0x3b: {  	s20 =	rddreg [dreg:$0x12];
	[sflag:s9] =	ssyncadd.s32 $0xFFFFE000  }
0x3c: {  	[spmem:s20] =	stream.linear.scatter [tilespmem:s5], [sflag:$0xA], $0x2000, $0x38;
	[tilespmem:$0x1FB40] =	vst v63  }
0x3d: {  	_ =	swait.ge [sflag:s9], $0x2000  }
0x3e: {  	[sflag:s9] =	ssyncset.done $0x0  }
0x3f: {  	s21 =	rddreg [dreg:$0x15];
	[sflag:s9] =	ssyncadd.s32 $0xFFFFE000  }
0x40: {  	[spmem:s21] =	stream.linear.scatter [tilespmem:s5], [sflag:$0xA], $0x2000, $0x38;
	[tilespmem:$0x1FB40] =	vst v63  }
0x41: {  	_ =	swait.ge [sflag:s9], $0x2000  }
0x42: {  	[sflag:s9] =	ssyncset.done $0x0  }
0x43: {  	s8 =	rddreg [dreg:$0x16];
	[sflag:s9] =	ssyncadd.s32 $0xFFFFE000  }
0x44: {  	[spmem:s8] =	stream.linear.scatter [tilespmem:s5], [sflag:$0xA], $0x2000, $0x38;
	[tilespmem:$0x1FB40] =	vst v63  }
0x45: {  	_ =	swait.ge [sflag:s9], $0x2000  }
0x46: {  	[sflag:s9] =	ssyncset.done $0x0  }
0x47: {  	s10 =	rddreg [dreg:$0x17];
	[sflag:s9] =	ssyncadd.s32 $0xFFFFE000  }
0x48: {  	[spmem:s10] =	stream.linear.scatter [tilespmem:s5], [sflag:$0xA], $0x2000, $0x38;
	[tilespmem:$0x1FB40] =	vst v63  }
0x49: {  	_ =	swait.ge [sflag:s9], $0x2000  }
0x4a: {  	[sflag:s9] =	ssyncset.done $0x0  }
0x4b: {  	s20 =	rddreg [dreg:$0x18];
	[sflag:s9] =	ssyncadd.s32 $0xFFFFE000  }
0x4c: {  	[spmem:s20] =	stream.linear.scatter [tilespmem:s5], [sflag:$0xA], $0x2000, $0x38;
	[tilespmem:$0x1FB40] =	vst v63  }
0x4d: {  	_ =	swait.ge [sflag:s9], $0x2000  }
0x4e: {  	[sflag:s9] =	ssyncset.done $0x0  }
0x4f: {  	s21 =	rddreg [dreg:$0x19];
	[sflag:s9] =	ssyncadd.s32 $0xFFFFE000  }
0x50: {  	[spmem:s21] =	stream.linear.scatter [tilespmem:s5], [sflag:$0xA], $0x2000, $0x38;
	[tilespmem:$0x1FB40] =	vst v63  }
0x51: {  	_ =	swait.ge [sflag:s9], $0x2000  }
0x52: {  	[sflag:s9] =	ssyncset.done $0x0  }
0x53: {  	s8 =	rddreg [dreg:$0x1a];
	[sflag:s9] =	ssyncadd.s32 $0xFFFFE000  }
0x54: {  	[spmem:s8] =	stream.linear.scatter [tilespmem:s5], [sflag:$0xA], $0x2000, $0x38;
	[tilespmem:$0x1FB40] =	vst v63  }
0x55: {  	_ =	swait.ge [sflag:s9], $0x2000  }
0x56: {  	[sflag:s9] =	ssyncset.done $0x0  }
0x57: {  	s10 =	rddreg [dreg:$0x7];
	[sflag:s9] =	ssyncadd.s32 $0xFFFFE000  }
0x58: {  	[spmem:s10] =	stream.linear.scatter [tilespmem:s5], [sflag:$0xA], $0x1800, $0x38;
	[tilespmem:$0x1FB40] =	vst v63  }
0x59: {  	_ =	swait.ge [sflag:s9], $0x1800  }
0x5a: {  	[sflag:s9] =	ssyncset.done $0x0  }
0x5b: {  	s0 =	simm.s32 @!p0 $0x6240;
	[sflag:s9] =	ssyncadd.s32 $0xFFFFE800  }
0x5c: {  	[spmem:s16] =	stream.linear.scatter @!p0 [tilespmem:s0], [sflag:$0xA], $0x1000, $0x38;
	[tilespmem:$0x1FB40] =	vst v63  }
0x5d: {  	s0 =	simm.s32 @!p0 $0xA  }
0x5e: {  	_ =	swait.ge @!p0 [sflag:s0], $0x1000  }
0x5f: {  	[sflag:s0] =	ssyncset.done @!p0 $0x0  }
0x60: {  	[sflag:s0] =	ssyncadd.s32 @!p0 $0xFFFFF000  }
0x61: {  	[bflag:$0x0] =	sbarrier.arrive $0xFFFF  }
0x62: {  	s0 =	simm.s32 $0x0;
	s8 =	rddreg [dreg:$0x9]  }
0x63: {  	[tilespmem:s0], [sflag:$0x7] =	stream.linear.gather [hbm4b:s8+s0], $0x40, $0x38;
	[tilespmem:$0x1FB40] =	vst v63  }
0x64: {  	s16 =	rddreg [dreg:$0xa]  }
0x65: {  	[tilespmem:s11], [sflag:$0x7] =	stream.linear.gather [hbm4b:s16+s0], $0x40, $0x38;
	[tilespmem:$0x1FB40] =	vst v63  }
0x66: {  	s10 =	simm.s32 $0x80;
	s20 =	rddreg [dreg:$0xb]  }
0x67: {  	[tilespmem:s10], [sflag:$0x8] =	stream.linear.gather [hbm4b:s20+s0], $0x40, $0x38;
	[tilespmem:$0x1FB40] =	vst v63  }
0x68: {  	s21 =	rddreg [dreg:$0xc];
	s16 =	simm.s32 $0xC0  }
0x69: {  	[tilespmem:s16], [sflag:$0x8] =	stream.linear.gather [hbm4b:s21+s0], $0x40, $0x38;
	[tilespmem:$0x1FB40] =	vst v63  }
0x6a: {  	s20 =	rddreg [dreg:$0xd]  }
0x6b: {  	[tilespmem:s14], [sflag:$0x9] =	stream.linear.gather [hbm4b:s20+s0], $0x40, $0x38;
	[tilespmem:$0x1FB40] =	vst v63  }
0x6c: {  	s21 =	rddreg [dreg:$0xe];
	s20 =	simm.s32 $0x7  }
0x6d: {  	[tilespmem:s15], [sflag:$0x9] =	stream.linear.gather [hbm4b:s21+s0], $0x40, $0x38;
	[tilespmem:$0x1FB40] =	vst v63  }
0x6e: {  	_ =	swait.ge [sflag:s20], $0x40  }
0x6f: {  	[sflag:s20] =	ssyncset.done $0x0  }
0x70: {  	[sflag:s20] =	ssyncadd.s32 $0xFFFFFFC0  }
0x71: {  	_ =	swait.ge [sflag:s20], $0x40  }
0x72: {  	[sflag:s20] =	ssyncset.done $0x0  }
0x73: {  	s21 =	simm.s32 $0x240;
	[sflag:s20] =	ssyncadd.s32 $0xFFFFFFC0  }
0x74: {  	[tilespmem:s21], [sflag:$0x1] =	stream.indirect.gather [hbm4b:s6+s11], $0x40, s0, s11, $0xb8;
	[tilespmem:$0x1FB40] =	vst v63  }
0x75: {  	s20 =	simm.s32 $0x1240;
	s21 =	simm.s32 $0x8  }
0x76: {  	[tilespmem:s20], [sflag:$0x1] =	stream.indirect.gather [hbm4b:s7+s11], $0x40, s11, s11, $0xb8;
	[tilespmem:$0x1FB40] =	vst v63  }
0x77: {  	_ =	swait.ge [sflag:s21], $0x40  }
0x78: {  	[sflag:s21] =	ssyncset.done $0x0  }
0x79: {  	[sflag:s21] =	ssyncadd.s32 $0xFFFFFFC0  }
0x7a: {  	_ =	swait.ge [sflag:s21], $0x40  }
0x7b: {  	[sflag:s21] =	ssyncset.done $0x0  }
0x7c: {  	s20 =	simm.s32 $0x2240;
	[sflag:s21] =	ssyncadd.s32 $0xFFFFFFC0  }
0x7d: {  	[tilespmem:s20], [sflag:$0x2] =	stream.indirect.gather [hbm4b:s6+s11], $0x40, s10, s11, $0xb8;
	[tilespmem:$0x1FB40] =	vst v63  }
0x7e: {  	s21 =	simm.s32 $0x3240  }
0x7f: {  	[tilespmem:s21], [sflag:$0x2] =	stream.indirect.gather [hbm4b:s7+s11], $0x40, s16, s11, $0xb8;
	[tilespmem:$0x1FB40] =	vst v63  }
.LBB2_4:
0x80: {  	_ =	swait.ge [sflag:s22], $0x1000  }
0x81: {  	[sflag:s22] =	ssyncset.done $0x0  }
0x82: {  	[sflag:s22] =	ssyncadd.s32 $0xFFFFF000  }
0x83: {  	_ =	swait.ge [sflag:s22], $0x1000  }
0x84: {  	p2 =	seq.s32 s0, $0x0;
	[sflag:s22] =	ssyncset.done $0x0  }
0x85: {  	s8 =	simm.s32 @!p2 $0x4;
	[sflag:s22] =	ssyncadd.s32 $0xFFFFF000  }
0x86: {  	_ =	swait.ge @!p2 [sflag:s8], $0x2000  }
0x87: {  	[sflag:s8] =	ssyncset.done @!p2 $0x0  }
0x88: {  	[sflag:s8] =	ssyncadd.s32 @!p2 $0xFFFFE000  }
0x89: {  	v2 =	vld [tilespmem:$0x40]  }
0x8a: {  	v3 =	vld [tilespmem:$0x50]  }
0x8b: {  	v4 =	vld [tilespmem:$0x60]  }
0x8c: {  	s20 =	smul.u32 $0x3, s0;
	v5 =	vld [tilespmem:$0x70]  }
0x8d: {  	p1 =	seq.s32 s0, $0x34  }
0x8e: {  	s8 =	sadd.s32 @!p1 s20, s17;
	[tilespmem:$0x180] =	vst v2  }
0x8f: {  	s8 =	sshll.u32 @!p1 s8, $0x3;
	[tilespmem:$0x190] =	vst v3  }
0x90: {  	s8 =	sand.u32 @!p1 $0x1FFFFFF8, s8;
	[tilespmem:$0x1A0] =	vst v4  }
0x91: {  	s16 =	simm.s32 @!p1 $0x0;
	s10 =	sadd.s32 @!p1 s1, s8;
	[tilespmem:$0x1B0] =	vst v5  }
0x92: {  	[tilespmem:s16], [sflag:$0x7] =	stream.linear.gather @!p1 [hbm4b:s10+s16], $0x40, $0x38;
	[tilespmem:$0x1FB40] =	vst v63  }
0x93: {  	s8 =	sadd.s32 @!p1 s2, s8;
	s10 =	simm.s32 @!p1 $0x40  }
0x94: {  	[tilespmem:s10], [sflag:$0x7] =	stream.linear.gather @!p1 [hbm4b:s8+s16], $0x40, $0x38;
	[tilespmem:$0x1FB40] =	vst v63  }
0x95: {  	_ =	swait.ge [sflag:s23], $0x40  }
0x96: {  	[sflag:s23] =	ssyncset.done $0x0  }
0x97: {  	[sflag:s23] =	ssyncadd.s32 $0xFFFFFFC0  }
0x98: {  	_ =	swait.ge [sflag:s23], $0x40  }
0x99: {  	[sflag:s23] =	ssyncset.done $0x0  }
0x9a: {  	[sflag:s23] =	ssyncadd.s32 $0xFFFFFFC0  }
0x9b: {  	[tilespmem:s24], [sflag:$0x3] =	stream.indirect.gather [hbm4b:s6+s11], $0x40, s14, s11, $0xb8;
	[tilespmem:$0x1FB40] =	vst v63  }
0x9c: {  	s21 =	simm.s32 $0xFFFFF000  }
0x9d: {  	[tilespmem:s12], [sflag:$0x3] =	stream.indirect.gather [hbm4b:s7+s11], $0x40, s15, s11, $0xb8;
	[tilespmem:$0x1FB40] =	vst v63  }
0x9e: {  	v2 =	vld [tilespmem:s21+$0x1240]  }
0x9f: {  	v3 =	vld [tilespmem:s21+$0x2240];
	_ =	sdelay $0x4  }
0xa0: {  	v2 =	vadd.bf16 v3, v2;
	_ =	sdelay $0x1  }
0xa1: {  	v2 =	vmax.bf16 v2, v1  }
0xa2: {  	s8 =	simm.s32 $0x6280;
	v3 =	vunpack.i.l.bf16.f32 v2  }
0xa3: {  	v2 =	vunpack.i.u.bf16.f32 v2;
	[tilespmem:s8+$0xFFFFFFC0] =	vst v3  }
0xa4: {  	[tilespmem:s8+$0xFFFFFFD0] =	vst v2  }
0xa5: {  	v2 =	vld [tilespmem:s21+$0x1250]  }
0xa6: {  	v3 =	vld [tilespmem:s21+$0x2250];
	_ =	sdelay $0x4  }
0xa7: {  	v2 =	vadd.bf16 v3, v2;
	_ =	sdelay $0x1  }
0xa8: {  	v2 =	vmax.bf16 v2, v1  }
0xa9: {  	v3 =	vunpack.i.l.bf16.f32 v2  }
0xaa: {  	v2 =	vunpack.i.u.bf16.f32 v2;
	[tilespmem:s8+$0xFFFFFFE0] =	vst v3  }
0xab: {  	[tilespmem:s8+$0xFFFFFFF0] =	vst v2  }
0xac: {  	v2 =	vld [tilespmem:s21+$0x1260]  }
0xad: {  	v3 =	vld [tilespmem:s21+$0x2260];
	_ =	sdelay $0x4  }
0xae: {  	v2 =	vadd.bf16 v3, v2;
	_ =	sdelay $0x1  }
0xaf: {  	v2 =	vmax.bf16 v2, v1  }
0xb0: {  	v3 =	vunpack.i.l.bf16.f32 v2  }
0xb1: {  	v2 =	vunpack.i.u.bf16.f32 v2;
	[tilespmem:s8+$0x0] =	vst v3  }
0xb2: {  	[tilespmem:s8+$0x10] =	vst v2  }
0xb3: {  	v2 =	vld [tilespmem:s21+$0x1270]  }
0xb4: {  	s16 =	simm.s32 $0xFFFFC100;
	s10 =	simm.s32 $0x6280;
	v3 =	vld [tilespmem:s21+$0x2270]  }
.LBB2_5:
0xb5: {  	p3 =	sne.s32 s16, $0xFFFFFF00  }
0xb6: {  	s8 =	sadd.s32 $0x80, s8;
	s21 =	smov.u32 s16;
	s16 =	sadd.s32 $0x100, s16  }
0xb7: {  	_ =	sdelay $0x1  }
0xb8: {  	v2 =	vadd.bf16 v3, v2;
	_ =	sdelay $0x1  }
0xb9: {  	v2 =	vmax.bf16 v2, v1  }
0xba: {  	v3 =	vunpack.i.u.bf16.f32 v2;
	v2 =	vunpack.i.l.bf16.f32 v2  }
0xbb: {  	[tilespmem:s10+$0x20] =	vst v2  }
0xbc: {  	s21 =	sshra.s32 s21, $0x2;
	[tilespmem:s10+$0x30] =	vst v3;
	s10 =	smov.u32 s8  }
0xbd: {  	v2 =	vld [tilespmem:s21+$0x1240]  }
0xbe: {  	v3 =	vld [tilespmem:s21+$0x2240];
	_ =	sdelay $0x4  }
0xbf: {  	v2 =	vadd.bf16 v3, v2;
	_ =	sdelay $0x1  }
0xc0: {  	v2 =	vmax.bf16 v2, v1  }
0xc1: {  	v3 =	vunpack.i.u.bf16.f32 v2;
	v2 =	vunpack.i.l.bf16.f32 v2  }
0xc2: {  	[tilespmem:s8+$0xFFFFFFC0] =	vst v2  }
0xc3: {  	[tilespmem:s8+$0xFFFFFFD0] =	vst v3  }
0xc4: {  	v2 =	vld [tilespmem:s21+$0x1250]  }
0xc5: {  	v3 =	vld [tilespmem:s21+$0x2250];
	_ =	sdelay $0x4  }
0xc6: {  	v2 =	vadd.bf16 v3, v2;
	_ =	sdelay $0x1  }
0xc7: {  	v2 =	vmax.bf16 v2, v1  }
0xc8: {  	v3 =	vunpack.i.u.bf16.f32 v2;
	v2 =	vunpack.i.l.bf16.f32 v2  }
0xc9: {  	[tilespmem:s8+$0xFFFFFFE0] =	vst v2  }
0xca: {  	[tilespmem:s8+$0xFFFFFFF0] =	vst v3  }
0xcb: {  	v2 =	vld [tilespmem:s21+$0x1260]  }
0xcc: {  	v3 =	vld [tilespmem:s21+$0x2260];
	_ =	sdelay $0x4  }
0xcd: {  	v2 =	vadd.bf16 v3, v2;
	_ =	sdelay $0x1  }
0xce: {  	v2 =	vmax.bf16 v2, v1  }
.Ltmp1:
0xcf: {  	v3 =	vunpack.i.u.bf16.f32 v2;
	v2 =	vunpack.i.l.bf16.f32 v2;
	(pc) =	sbr.rel @p3 .LBB2_5-.Ltmp1, $4  }
0xd0: {  	[tilespmem:s8+$0x0] =	vst v2  }
0xd1: {  	[tilespmem:s8+$0x10] =	vst v3  }
0xd2: {  	v2 =	vld [tilespmem:s21+$0x1270]  }
0xd3: {  	v3 =	vld [tilespmem:s21+$0x2270]  }
0xd4: {  	_ =	sdelay $0x3  }
0xd5: {  	v2 =	vadd.bf16 v3, v2;
	_ =	sdelay $0x1  }
0xd6: {  	v2 =	vmax.bf16 v2, v1  }
0xd7: {  	v3 =	vunpack.i.l.bf16.f32 v2  }
0xd8: {  	v2 =	vunpack.i.u.bf16.f32 v2;
	[tilespmem:s10+$0x20] =	vst v3  }
0xd9: {  	[tilespmem:s10+$0x30] =	vst v2  }
0xda: {  	[spmem:s3] =	stream.indirect.scatter.add.f32 [tilespmem:s5], [sflag:$0x4], $0x80, s25, s11, $0xb8;
	[tilespmem:$0x1FB40] =	vst v63  }
0xdb: {  	_ =	swait.ge [sflag:s13], $0x1000  }
0xdc: {  	[sflag:s13] =	ssyncset.done $0x0  }
0xdd: {  	[sflag:s13] =	ssyncadd.s32 $0xFFFFF000  }
0xde: {  	_ =	swait.ge [sflag:s13], $0x1000  }
0xdf: {  	[sflag:s13] =	ssyncset.done $0x0  }
0xe0: {  	s8 =	simm.s32 @!p2 $0x5;
	[sflag:s13] =	ssyncadd.s32 $0xFFFFF000  }
0xe1: {  	_ =	swait.ge @!p2 [sflag:s8], $0x2000  }
0xe2: {  	[sflag:s8] =	ssyncset.done @!p2 $0x0  }
0xe3: {  	[sflag:s8] =	ssyncadd.s32 @!p2 $0xFFFFE000  }
0xe4: {  	v2 =	vld [tilespmem:$0xC0]  }
0xe5: {  	v3 =	vld [tilespmem:$0xD0]  }
0xe6: {  	v4 =	vld [tilespmem:$0xE0]  }
0xe7: {  	v5 =	vld [tilespmem:$0xF0];
	_ =	sdelay $0x1  }
0xe8: {  	s8 =	sadd.s32 @!p1 s20, s18;
	[tilespmem:$0x1C0] =	vst v2  }
0xe9: {  	s8 =	sshll.u32 @!p1 s8, $0x3;
	[tilespmem:$0x1D0] =	vst v3  }
0xea: {  	s8 =	sand.u32 @!p1 $0x1FFFFFF8, s8;
	[tilespmem:$0x1E0] =	vst v4  }
0xeb: {  	s16 =	simm.s32 @!p1 $0x0;
	s21 =	simm.s32 @!p1 $0x80;
	s10 =	sadd.s32 @!p1 s1, s8;
	[tilespmem:$0x1F0] =	vst v5  }
0xec: {  	[tilespmem:s21], [sflag:$0x8] =	stream.linear.gather @!p1 [hbm4b:s10+s16], $0x40, $0x38;
	[tilespmem:$0x1FB40] =	vst v63  }
0xed: {  	s8 =	sadd.s32 @!p1 s2, s8;
	s10 =	simm.s32 @!p1 $0xC0  }
0xee: {  	[tilespmem:s10], [sflag:$0x8] =	stream.linear.gather @!p1 [hbm4b:s8+s16], $0x40, $0x38;
	[tilespmem:$0x1FB40] =	vst v63  }
0xef: {  	s8 =	simm.s32 @!p1 $0x7  }
0xf0: {  	_ =	swait.ge @!p1 [sflag:s8], $0x40  }
0xf1: {  	[sflag:s8] =	ssyncset.done @!p1 $0x0  }
0xf2: {  	[sflag:s8] =	ssyncadd.s32 @!p1 $0xFFFFFFC0  }
0xf3: {  	_ =	swait.ge @!p1 [sflag:s8], $0x40  }
0xf4: {  	[sflag:s8] =	ssyncset.done @!p1 $0x0  }
0xf5: {  	s10 =	simm.s32 @!p1 $0x240;
	[sflag:s8] =	ssyncadd.s32 @!p1 $0xFFFFFFC0;
	s8 =	simm.s32 @!p1 $0x40  }
0xf6: {  	[tilespmem:s10], [sflag:$0x1] =	stream.indirect.gather @!p1 [hbm4b:s6+s8], $0x40, s16, s8, $0xb8;
	[tilespmem:$0x1FB40] =	vst v63  }
0xf7: {  	s21 =	simm.s32 $0xFFFFF000;
	s10 =	simm.s32 @!p1 $0x1240  }
0xf8: {  	[tilespmem:s10], [sflag:$0x1] =	stream.indirect.gather @!p1 [hbm4b:s7+s8], $0x40, s8, s8, $0xb8;
	[tilespmem:$0x1FB40] =	vst v63  }
0xf9: {  	v2 =	vld [tilespmem:s21+$0x3240]  }
0xfa: {  	v3 =	vld [tilespmem:s21+$0x4240];
	_ =	sdelay $0x4  }
0xfb: {  	v2 =	vadd.bf16 v3, v2;
	_ =	sdelay $0x1  }
0xfc: {  	v2 =	vmax.bf16 v2, v1  }
0xfd: {  	s8 =	simm.s32 $0x8280;
	v3 =	vunpack.i.l.bf16.f32 v2  }
0xfe: {  	v2 =	vunpack.i.u.bf16.f32 v2;
	[tilespmem:s8+$0xFFFFFFC0] =	vst v3  }
0xff: {  	[tilespmem:s8+$0xFFFFFFD0] =	vst v2  }
0x100: {  	v2 =	vld [tilespmem:s21+$0x3250]  }
0x101: {  	v3 =	vld [tilespmem:s21+$0x4250];
	_ =	sdelay $0x4  }
0x102: {  	v2 =	vadd.bf16 v3, v2;
	_ =	sdelay $0x1  }
0x103: {  	v2 =	vmax.bf16 v2, v1  }
0x104: {  	v3 =	vunpack.i.l.bf16.f32 v2  }
0x105: {  	v2 =	vunpack.i.u.bf16.f32 v2;
	[tilespmem:s8+$0xFFFFFFE0] =	vst v3  }
0x106: {  	[tilespmem:s8+$0xFFFFFFF0] =	vst v2  }
0x107: {  	v2 =	vld [tilespmem:s21+$0x3260]  }
0x108: {  	v3 =	vld [tilespmem:s21+$0x4260];
	_ =	sdelay $0x4  }
0x109: {  	v2 =	vadd.bf16 v3, v2;
	_ =	sdelay $0x1  }
0x10a: {  	v2 =	vmax.bf16 v2, v1  }
0x10b: {  	v3 =	vunpack.i.l.bf16.f32 v2  }
0x10c: {  	v2 =	vunpack.i.u.bf16.f32 v2;
	[tilespmem:s8+$0x0] =	vst v3  }
0x10d: {  	[tilespmem:s8+$0x10] =	vst v2  }
0x10e: {  	v2 =	vld [tilespmem:s21+$0x3270]  }
0x10f: {  	s16 =	simm.s32 $0xFFFFC100;
	s10 =	simm.s32 $0x8280;
	v3 =	vld [tilespmem:s21+$0x4270]  }
.LBB2_7:
0x110: {  	p3 =	sne.s32 s16, $0xFFFFFF00  }
0x111: {  	s8 =	sadd.s32 $0x80, s8;
	s21 =	smov.u32 s16;
	s16 =	sadd.s32 $0x100, s16  }
0x112: {  	_ =	sdelay $0x1  }
0x113: {  	v2 =	vadd.bf16 v3, v2;
	_ =	sdelay $0x1  }
0x114: {  	v2 =	vmax.bf16 v2, v1  }
0x115: {  	v3 =	vunpack.i.u.bf16.f32 v2;
	v2 =	vunpack.i.l.bf16.f32 v2  }
0x116: {  	[tilespmem:s10+$0x20] =	vst v2  }
0x117: {  	s21 =	sshra.s32 s21, $0x2;
	[tilespmem:s10+$0x30] =	vst v3;
	s10 =	smov.u32 s8  }
0x118: {  	v2 =	vld [tilespmem:s21+$0x3240]  }
0x119: {  	v3 =	vld [tilespmem:s21+$0x4240];
	_ =	sdelay $0x4  }
0x11a: {  	v2 =	vadd.bf16 v3, v2;
	_ =	sdelay $0x1  }
0x11b: {  	v2 =	vmax.bf16 v2, v1  }
0x11c: {  	v3 =	vunpack.i.u.bf16.f32 v2;
	v2 =	vunpack.i.l.bf16.f32 v2  }
0x11d: {  	[tilespmem:s8+$0xFFFFFFC0] =	vst v2  }
0x11e: {  	[tilespmem:s8+$0xFFFFFFD0] =	vst v3  }
0x11f: {  	v2 =	vld [tilespmem:s21+$0x3250]  }
0x120: {  	v3 =	vld [tilespmem:s21+$0x4250];
	_ =	sdelay $0x4  }
0x121: {  	v2 =	vadd.bf16 v3, v2;
	_ =	sdelay $0x1  }
0x122: {  	v2 =	vmax.bf16 v2, v1  }
0x123: {  	v3 =	vunpack.i.u.bf16.f32 v2;
	v2 =	vunpack.i.l.bf16.f32 v2  }
0x124: {  	[tilespmem:s8+$0xFFFFFFE0] =	vst v2  }
0x125: {  	[tilespmem:s8+$0xFFFFFFF0] =	vst v3  }
0x126: {  	v2 =	vld [tilespmem:s21+$0x3260]  }
0x127: {  	v3 =	vld [tilespmem:s21+$0x4260];
	_ =	sdelay $0x4  }
0x128: {  	v2 =	vadd.bf16 v3, v2;
	_ =	sdelay $0x1  }
0x129: {  	v2 =	vmax.bf16 v2, v1  }
.Ltmp2:
0x12a: {  	v3 =	vunpack.i.u.bf16.f32 v2;
	v2 =	vunpack.i.l.bf16.f32 v2;
	(pc) =	sbr.rel @p3 .LBB2_7-.Ltmp2, $4  }
0x12b: {  	[tilespmem:s8+$0x0] =	vst v2  }
0x12c: {  	[tilespmem:s8+$0x10] =	vst v3  }
0x12d: {  	v2 =	vld [tilespmem:s21+$0x3270]  }
0x12e: {  	v3 =	vld [tilespmem:s21+$0x4270]  }
0x12f: {  	_ =	sdelay $0x3  }
0x130: {  	v2 =	vadd.bf16 v3, v2;
	_ =	sdelay $0x1  }
0x131: {  	v2 =	vmax.bf16 v2, v1  }
0x132: {  	v3 =	vunpack.i.l.bf16.f32 v2  }
0x133: {  	v2 =	vunpack.i.u.bf16.f32 v2;
	[tilespmem:s10+$0x20] =	vst v3  }
0x134: {  	[tilespmem:s10+$0x30] =	vst v2  }
0x135: {  	[spmem:s3] =	stream.indirect.scatter.add.f32 [tilespmem:s28], [sflag:$0x5], $0x80, s26, s11, $0xb8;
	[tilespmem:$0x1FB40] =	vst v63  }
0x136: {  	_ =	swait.ge [sflag:s29], $0x1000  }
0x137: {  	[sflag:s29] =	ssyncset.done $0x0  }
0x138: {  	[sflag:s29] =	ssyncadd.s32 $0xFFFFF000  }
0x139: {  	_ =	swait.ge [sflag:s29], $0x1000  }
0x13a: {  	[sflag:s29] =	ssyncset.done $0x0  }
0x13b: {  	s8 =	simm.s32 @!p2 $0x6;
	[sflag:s29] =	ssyncadd.s32 $0xFFFFF000  }
0x13c: {  	_ =	swait.ge @!p2 [sflag:s8], $0x2000  }
0x13d: {  	[sflag:s8] =	ssyncset.done @!p2 $0x0  }
0x13e: {  	[sflag:s8] =	ssyncadd.s32 @!p2 $0xFFFFE000  }
0x13f: {  	v2 =	vld [tilespmem:$0x140]  }
0x140: {  	v3 =	vld [tilespmem:$0x150]  }
0x141: {  	v4 =	vld [tilespmem:$0x160]  }
0x142: {  	v5 =	vld [tilespmem:$0x170];
	_ =	sdelay $0x1  }
0x143: {  	s8 =	sadd.s32 @!p1 s20, s19;
	[tilespmem:$0x200] =	vst v2  }
0x144: {  	s8 =	sshll.u32 @!p1 s8, $0x3;
	[tilespmem:$0x210] =	vst v3  }
0x145: {  	s8 =	sand.u32 @!p1 $0x1FFFFFF8, s8;
	[tilespmem:$0x220] =	vst v4  }
0x146: {  	s16 =	simm.s32 @!p1 $0x0;
	s20 =	simm.s32 @!p1 $0x100;
	s10 =	sadd.s32 @!p1 s1, s8;
	[tilespmem:$0x230] =	vst v5  }
0x147: {  	[tilespmem:s20], [sflag:$0x9] =	stream.linear.gather @!p1 [hbm4b:s10+s16], $0x40, $0x38;
	[tilespmem:$0x1FB40] =	vst v63  }
0x148: {  	s8 =	sadd.s32 @!p1 s2, s8;
	s10 =	simm.s32 @!p1 $0x140  }
0x149: {  	[tilespmem:s10], [sflag:$0x9] =	stream.linear.gather @!p1 [hbm4b:s8+s16], $0x40, $0x38;
	[tilespmem:$0x1FB40] =	vst v63  }
0x14a: {  	s8 =	simm.s32 @!p1 $0x8  }
0x14b: {  	_ =	swait.ge @!p1 [sflag:s8], $0x40  }
0x14c: {  	[sflag:s8] =	ssyncset.done @!p1 $0x0  }
0x14d: {  	[sflag:s8] =	ssyncadd.s32 @!p1 $0xFFFFFFC0  }
0x14e: {  	_ =	swait.ge @!p1 [sflag:s8], $0x40  }
0x14f: {  	s10 =	simm.s32 @!p1 $0x80;
	[sflag:s8] =	ssyncset.done @!p1 $0x0  }
0x150: {  	s16 =	simm.s32 @!p1 $0x2240;
	[sflag:s8] =	ssyncadd.s32 @!p1 $0xFFFFFFC0;
	s8 =	simm.s32 @!p1 $0x40  }
0x151: {  	[tilespmem:s16], [sflag:$0x2] =	stream.indirect.gather @!p1 [hbm4b:s6+s8], $0x40, s10, s8, $0xb8;
	[tilespmem:$0x1FB40] =	vst v63  }
0x152: {  	s21 =	simm.s32 $0xFFFFF000;
	s10 =	simm.s32 @!p1 $0xC0;
	s16 =	simm.s32 @!p1 $0x3240  }
0x153: {  	[tilespmem:s16], [sflag:$0x2] =	stream.indirect.gather @!p1 [hbm4b:s7+s8], $0x40, s10, s8, $0xb8;
	[tilespmem:$0x1FB40] =	vst v63  }
0x154: {  	v2 =	vld [tilespmem:s21+$0x5240]  }
0x155: {  	v3 =	vld [tilespmem:s21+$0x6240];
	_ =	sdelay $0x4  }
0x156: {  	v2 =	vadd.bf16 v3, v2;
	_ =	sdelay $0x1  }
0x157: {  	v2 =	vmax.bf16 v2, v1  }
0x158: {  	s8 =	simm.s32 $0xA280;
	v3 =	vunpack.i.l.bf16.f32 v2  }
0x159: {  	v2 =	vunpack.i.u.bf16.f32 v2;
	[tilespmem:s8+$0xFFFFFFC0] =	vst v3  }
0x15a: {  	[tilespmem:s8+$0xFFFFFFD0] =	vst v2  }
0x15b: {  	v2 =	vld [tilespmem:s21+$0x5250]  }
0x15c: {  	v3 =	vld [tilespmem:s21+$0x6250];
	_ =	sdelay $0x4  }
0x15d: {  	v2 =	vadd.bf16 v3, v2;
	_ =	sdelay $0x1  }
0x15e: {  	v2 =	vmax.bf16 v2, v1  }
0x15f: {  	v3 =	vunpack.i.l.bf16.f32 v2  }
0x160: {  	v2 =	vunpack.i.u.bf16.f32 v2;
	[tilespmem:s8+$0xFFFFFFE0] =	vst v3  }
0x161: {  	[tilespmem:s8+$0xFFFFFFF0] =	vst v2  }
0x162: {  	v2 =	vld [tilespmem:s21+$0x5260]  }
0x163: {  	v3 =	vld [tilespmem:s21+$0x6260];
	_ =	sdelay $0x4  }
0x164: {  	v2 =	vadd.bf16 v3, v2;
	_ =	sdelay $0x1  }
0x165: {  	v2 =	vmax.bf16 v2, v1  }
0x166: {  	v3 =	vunpack.i.l.bf16.f32 v2  }
0x167: {  	v2 =	vunpack.i.u.bf16.f32 v2;
	[tilespmem:s8+$0x0] =	vst v3  }
0x168: {  	[tilespmem:s8+$0x10] =	vst v2  }
0x169: {  	v2 =	vld [tilespmem:s21+$0x5270]  }
0x16a: {  	s16 =	simm.s32 $0xFFFFC100;
	s10 =	simm.s32 $0xA280;
	v3 =	vld [tilespmem:s21+$0x6270]  }
.LBB2_9:
0x16b: {  	p1 =	sne.s32 s16, $0xFFFFFF00  }
0x16c: {  	s8 =	sadd.s32 $0x80, s8;
	s20 =	smov.u32 s16;
	s16 =	sadd.s32 $0x100, s16  }
0x16d: {  	_ =	sdelay $0x1  }
0x16e: {  	v2 =	vadd.bf16 v3, v2;
	_ =	sdelay $0x1  }
0x16f: {  	v2 =	vmax.bf16 v2, v1  }
0x170: {  	v3 =	vunpack.i.u.bf16.f32 v2;
	v2 =	vunpack.i.l.bf16.f32 v2  }
0x171: {  	[tilespmem:s10+$0x20] =	vst v2  }
0x172: {  	s20 =	sshra.s32 s20, $0x2;
	[tilespmem:s10+$0x30] =	vst v3;
	s10 =	smov.u32 s8  }
0x173: {  	v2 =	vld [tilespmem:s20+$0x5240]  }
0x174: {  	v3 =	vld [tilespmem:s20+$0x6240];
	_ =	sdelay $0x4  }
0x175: {  	v2 =	vadd.bf16 v3, v2;
	_ =	sdelay $0x1  }
0x176: {  	v2 =	vmax.bf16 v2, v1  }
0x177: {  	v3 =	vunpack.i.u.bf16.f32 v2;
	v2 =	vunpack.i.l.bf16.f32 v2  }
0x178: {  	[tilespmem:s8+$0xFFFFFFC0] =	vst v2  }
0x179: {  	[tilespmem:s8+$0xFFFFFFD0] =	vst v3  }
0x17a: {  	v2 =	vld [tilespmem:s20+$0x5250]  }
0x17b: {  	v3 =	vld [tilespmem:s20+$0x6250];
	_ =	sdelay $0x4  }
0x17c: {  	v2 =	vadd.bf16 v3, v2;
	_ =	sdelay $0x1  }
0x17d: {  	v2 =	vmax.bf16 v2, v1  }
0x17e: {  	v3 =	vunpack.i.u.bf16.f32 v2;
	v2 =	vunpack.i.l.bf16.f32 v2  }
0x17f: {  	[tilespmem:s8+$0xFFFFFFE0] =	vst v2  }
0x180: {  	[tilespmem:s8+$0xFFFFFFF0] =	vst v3  }
0x181: {  	v2 =	vld [tilespmem:s20+$0x5260]  }
0x182: {  	v3 =	vld [tilespmem:s20+$0x6260];
	_ =	sdelay $0x4  }
0x183: {  	v2 =	vadd.bf16 v3, v2;
	_ =	sdelay $0x1  }
0x184: {  	v2 =	vmax.bf16 v2, v1  }
.Ltmp3:
0x185: {  	v3 =	vunpack.i.u.bf16.f32 v2;
	v2 =	vunpack.i.l.bf16.f32 v2;
	(pc) =	sbr.rel @p1 .LBB2_9-.Ltmp3, $4  }
0x186: {  	[tilespmem:s8+$0x0] =	vst v2  }
0x187: {  	[tilespmem:s8+$0x10] =	vst v3  }
0x188: {  	v2 =	vld [tilespmem:s20+$0x5270]  }
0x189: {  	v3 =	vld [tilespmem:s20+$0x6270]  }
0x18a: {  	_ =	sdelay $0x3  }
0x18b: {  	s0 =	sadd.s32 $0x1, s0;
	v2 =	vadd.bf16 v3, v2  }
0x18c: {  	p1 =	sne.s32 s0, $0x35  }
.Ltmp4:
0x18d: {  	v2 =	vmax.bf16 v2, v1;
	(pc) =	sbr.rel @p1 .LBB2_4-.Ltmp4, $4  }
0x18e: {  	v3 =	vunpack.i.l.bf16.f32 v2  }
0x18f: {  	v2 =	vunpack.i.u.bf16.f32 v2;
	[tilespmem:s10+$0x20] =	vst v3  }
0x190: {  	[tilespmem:s10+$0x30] =	vst v2  }
0x191: {  	[spmem:s3] =	stream.indirect.scatter.add.f32 [tilespmem:s31], [sflag:$0x6], $0x80, s30, s11, $0xb8;
	[tilespmem:$0x1FB40] =	vst v63  }
0x192: {  	s0 =	simm.s32 $0x4  }
0x193: {  	_ =	swait.ge [sflag:s0], $0x2000  }
0x194: {  	[sflag:s0] =	ssyncset.done $0x0  }
0x195: {  	s10 =	simm.s32 $0x5;
	[sflag:s0] =	ssyncadd.s32 $0xFFFFE000  }
0x196: {  	_ =	swait.ge [sflag:s10], $0x2000  }
0x197: {  	[sflag:s10] =	ssyncset.done $0x0  }
0x198: {  	s16 =	simm.s32 $0x6;
	[sflag:s10] =	ssyncadd.s32 $0xFFFFE000  }
0x199: {  	_ =	swait.ge [sflag:s16], $0x2000  }
0x19a: {  	[sflag:s16] =	ssyncset.done $0x0  }
0x19b: {  	[sflag:s16] =	ssyncadd.s32 $0xFFFFE000  }
0x19c: {  	s20 =	stileid.u32;
	[bflag:$0x0] =	sbarrier.arrive $0xFFFF  }
0x19d: {  	s0 =	sshll.u32 s20, $0x6;
	s8 =	rddreg [dreg:$0x13]  }
0x19e: {  	s0 =	sor.u32 $0x1C0A, s0;
	s10 =	rddreg [dreg:$0x14]  }
0x19f: {  	[hbm:s8], [sflag:s0] =	dma.local [spmem:s10], $0x2700  }
0x1a0: {  	_ =	swait.ge [sflag:s9], $0x2700  }
0x1a1: {  	s8 =	rddreg [dreg:$0xf]  }
0x1a2: {  	[sflag:s9] =	ssyncset.done $0x0;
	s16 =	rddreg [dreg:$0x8]  }
0x1a3: {  	[sflag:s9] =	ssyncadd.s32 $0xFFFFD900;
	s8 =	sadd.s32 @!p0 $0x27000, s8;
	s10 =	sshrl.u32 @!p0 s16, $0x3  }
0x1a4: {  	[hbm:s8], [sflag:s0] =	dma.local @!p0 [spmem:s10], $0x100  }
0x1a5: {  	s0 =	simm.s32 @!p0 $0xA  }
0x1a6: {  	_ =	swait.ge @!p0 [sflag:s0], $0x100  }
0x1a7: {  	s4 =	sadd.s32 $0x1, s4;
	s21 =	rddreg [dreg:$0x10]  }
0x1a8: {  	p1 =	sne.s32 s4, s21  }
.Ltmp5:
0x1a9: {  	_ = 	snop;
	(pc) =	sbr.rel @p1 .LBB2_1-.Ltmp5, $3  }
0x1aa: {  	_ =	sdelay $0x1  }
0x1ab: {  	[sflag:s0] =	ssyncset.done @!p0 $0x0  }
0x1ac: {  	[sflag:s0] =	ssyncadd.s32 @!p0 $0xFFFFFF00  }
0x1ad: {  	_ =	sfence.sel $0x180000  }
0x1ae: {  	[bflag:$0x0] =	sbarrier.arrive $0xFFFF  }
0x1af: {  	_ =	strace $0x90000047  }
0x1b0: {  	s0 =	stileid.u32;
	[bflag:$0x2] =	sbarrier.arrive $0xFFFF  }
0x1b1: {  	p0 =	sne.s32 s0, $0x0;
	s0 =	rddreg [dreg:$0x5]  }
0x1b2: {  	s0 =	sadd.s32 @!p0 $0x100000, s0  }
0x1b3: {  	[sflag:s0] =	ssyncadd.tile.s32 @!p0 $0x1;
	_ =	shalt  }
.Lfunc_end2:
_tile_overlayer_lowered:
.L_overlay_start_2:
0x1b4: {  	(tag) =	ssettag $0x2  }
0x1b5: {  	s0 =	rddreg [dreg:$0x0];
	s2 =	stileid.u32  }
0x1b6: {  	s1 =	rddreg [dreg:$0x1];
	p0 =	sne.s32 s2, $0x0  }
0x1b7: {  	s3 =	rddreg [dreg:$0x2];
	[bflag:$0x3] =	sbarrier.arrive $0xFFFF;
	s2 =	simm.s32 @!p0 $0x1C0A  }
0x1b8: {  	[timem:s3], [sflag:s2] =	dma.local @!p0 [hbm:s0], s1  }
0x1b9: {  	s0 =	simm.s32 @!p0 $0xA  }
0x1ba: {  	_ =	swait.ge @!p0 [sflag:s0], s1  }
0x1bb: {  	s1 =	ssub.s32 @!p0 $0x0, s1;
	[sflag:s0] =	ssyncset.done @!p0 $0x0  }
0x1bc: {  	[sflag:s0] =	ssyncadd.s32 @!p0 s1  }
0x1bd: {  	[bflag:$0x3] =	sbarrier.arrive $0xFFFF  }
0x1be: {  	_ =	shalt  }

</sc_bundles>
